<compile_context>
chip_gen: v7x
topology: tpu7x:2x2x1
jax: 0.10.2.dev20260603
libtpu: 0.0.44.dev20260713+nightly
codegen_flags: <defaults>
</compile_context>

<pallas_src>
import functools

import jax
import jax.numpy as jnp
from jax import lax
from jax.experimental import pallas as pl
from jax.experimental.pallas import tpu as pltpu
from jax.experimental.pallas import tpu_sc as plsc

B, H, D = 16384, 200, 64
N = B * H
NC, NS = 2, 16
NW = NC * NS
ROWS_W = B // NW
R = 4
CHUNK = R * H
STEPS = ROWS_W // R
NBUF = 2
NGROUPS = STEPS // NBUF

_mesh = plsc.VectorSubcoreMesh(core_axis_name="c", subcore_axis_name="s")


@functools.partial(
    pl.kernel,
    mesh=_mesh,
    out_type=jax.ShapeDtypeStruct((B, H, D), jnp.float32),
    scratch_types=[
        pltpu.VMEM((CHUNK,), jnp.int32),
        pltpu.VMEM((CHUNK,), jnp.int32),
        pltpu.VMEM((R, H, D), jnp.float32),
        pltpu.VMEM((R, H, D), jnp.float32),
        pltpu.SemaphoreType.DMA,
        pltpu.SemaphoreType.DMA,
        pltpu.SemaphoreType.DMA,
        pltpu.SemaphoreType.DMA,
        pltpu.SemaphoreType.DMA,
        pltpu.SemaphoreType.DMA,
    ],
    compiler_params=pltpu.CompilerParams(
        use_tc_tiling_on_sc=False,
        disable_bounds_checks=True,
    ),
)
def _embed(idx_hbm, table_hbm, out_hbm, idx0, idx1, rows0, rows1,
           gsem0, gsem1, osem0, osem1, isem0, isem1):
    idx_v = [idx0, idx1]
    rows_v = [rows0, rows1]
    gsems = [gsem0, gsem1]
    osems = [osem0, osem1]
    isems = [isem0, isem1]

    wid = lax.axis_index("s") * NC + lax.axis_index("c")
    row_base = wid * ROWS_W

    def fire_idx(chunk_id, b):
        r0 = row_base + chunk_id * R
        pltpu.async_copy(
            idx_hbm.at[pl.ds(r0 * H, CHUNK)], idx_v[b], isems[b]
        )

    def wait_idx(b):
        pltpu.make_async_copy(
            idx_hbm.at[pl.ds(0, CHUNK)], idx_v[b], isems[b]
        ).wait()

    def fire_gathers(b):
        for r in range(R):
            pltpu.async_copy(
                table_hbm.at[idx_v[b].at[pl.ds(r * H, H)]],
                rows_v[b].at[r],
                gsems[b],
            )

    def wait_gathers(b):
        pltpu.make_async_copy(
            out_hbm.at[pl.ds(0, R)], rows_v[b], gsems[b]
        ).wait()

    def fire_store(chunk_id, b):
        r0 = row_base + chunk_id * R
        pltpu.async_copy(rows_v[b], out_hbm.at[pl.ds(r0, R)], osems[b])

    def wait_store(b):
        pltpu.make_async_copy(
            rows_v[b], out_hbm.at[pl.ds(0, R)], osems[b]
        ).wait()

    for b in range(NBUF):
        fire_idx(b, b)
    for b in range(NBUF):
        wait_idx(b)
        fire_gathers(b)

    def group(g0, carry):
        for b in range(NBUF):
            g = g0 * NBUF + b
            wait_gathers(b)
            fire_idx(g + NBUF, b)
            fire_store(g, b)
            wait_store(b)
            wait_idx(b)
            fire_gathers(b)
        return carry

    lax.fori_loop(0, NGROUPS - 1, group, 0)

    for b in range(NBUF):
        g = STEPS - NBUF + b
        wait_gathers(b)
        fire_store(g, b)
    for b in range(NBUF):
        wait_store(b)


def kernel(x, weight):
    flat = x.reshape(-1).astype(jnp.int32)
    return _embed(flat, weight)

# --- scband reference (transcript-rebuilt; emitter-appended) ---
"""Pipeline reference for scband-position-embedding-15264313770410 (READ-ONLY COPY).

The authoritative reference and input builder live on the scoring server;
editing this copy changes nothing except your own understanding.
"""

import jax, jax.numpy as jnp
import numpy as np

NUM_EMBEDDINGS = 100000
EMBEDDING_DIM = 64
BATCH = 16384
HIST = 200


def setup_inputs(seed: int = 0) -> dict:
    key = jax.random.key(seed)
    k_idx, k_w = jax.random.split(key)
    x = jax.random.randint(k_idx, (BATCH, HIST), 0, NUM_EMBEDDINGS, dtype=jnp.int64 if jax.config.jax_enable_x64 else jnp.int32)
    weight = jax.random.normal(k_w, (NUM_EMBEDDINGS, EMBEDDING_DIM), dtype=jnp.float32)
    return {"x": x, "weight": weight}


def reference(x, weight):
    # PositionEmbedding.forward: embeddings = self.weight(x)  (nn.Embedding lookup)
    embeddings = jnp.take(weight, x, axis=0)
    return embeddings

if __name__ == "__main__":
    import jax
    _d = setup_inputs()
    print(jax.jit(kernel)(*tuple(_d.values())))

</pallas_src>

<mosaic_0001>
#map = affine_map<(d0, d1) -> (0)>
#map1 = affine_map<(d0, d1) -> (0, 0)>
#map2 = affine_map<(d0, d1) -> (0, 0, 0)>
module attributes {stable_mosaic.version = 14 : i64} {
  func.func @_embed(%arg0: i32, %arg1: i32, %arg2: memref<3276800xi32, #tpu.memory_space<hbm>>, %arg3: memref<100000x64xf32, #tpu.memory_space<hbm>>, %arg4: memref<16384x200x64xf32, #tpu.memory_space<hbm>>, %arg5: memref<800xi32, #tpu.memory_space<vmem>>, %arg6: memref<800xi32, #tpu.memory_space<vmem>>, %arg7: memref<4x200x64xf32, #tpu.memory_space<vmem>>, %arg8: memref<4x200x64xf32, #tpu.memory_space<vmem>>, %arg9: memref<!tpu.dma_semaphore, #tpu.memory_space<semaphore_mem>>, %arg10: memref<!tpu.dma_semaphore, #tpu.memory_space<semaphore_mem>>, %arg11: memref<!tpu.dma_semaphore, #tpu.memory_space<semaphore_mem>>, %arg12: memref<!tpu.dma_semaphore, #tpu.memory_space<semaphore_mem>>, %arg13: memref<!tpu.dma_semaphore, #tpu.memory_space<semaphore_mem>>, %arg14: memref<!tpu.dma_semaphore, #tpu.memory_space<semaphore_mem>>) attributes {dimension_semantics = [#tpu.dimension_semantics<core_parallel>, #tpu.dimension_semantics<subcore_parallel>], iteration_bounds = array<i64: 2, 16>, scalar_prefetch = 0 : i64, scratch_operands = 10 : i64, tpu.core_type = #tpu.core_type<sc_vector_subcore>, window_params = [{transform_indices = #map}, {transform_indices = #map1}, {transform_indices = #map2}]} {
    %mul3A = arith.constant 2 : i32
    %mul3A_0 = arith.muli %arg1, %mul3A : i32
    %add3A = arith.addi %mul3A_0, %arg0 : i32
    %mul3A_1 = arith.constant 512 : i32
    %mul3A_2 = arith.muli %add3A, %mul3A_1 : i32
    %add3A_3 = arith.constant 0 : i32
    %add3A_4 = arith.addi %mul3A_2, %add3A_3 : i32
    %mul3A_5 = arith.constant 200 : i32
    %mul3A_6 = arith.muli %add3A_4, %mul3A_5 : i32
    %dma_start3A = tpu.memref_slice %arg2[%mul3A_6] : memref<3276800xi32, #tpu.memory_space<hbm>> -> memref<800xi32, #tpu.memory_space<hbm>>
    %dma_start3A_7 = tpu.memref_slice %arg2[%mul3A_6] : memref<3276800xi32, #tpu.memory_space<hbm>> -> memref<800xi32, #tpu.memory_space<hbm>>
    tpu.enqueue_dma source(%dma_start3A_7 : memref<800xi32, #tpu.memory_space<hbm>>) target(%arg5 : memref<800xi32, #tpu.memory_space<vmem>>) target_semaphore(%arg13 : memref<!tpu.dma_semaphore, #tpu.memory_space<semaphore_mem>>)
    %add3A_8 = arith.constant 4 : i32
    %add3A_9 = arith.addi %mul3A_2, %add3A_8 : i32
    %mul3A_10 = arith.constant 200 : i32
    %mul3A_11 = arith.muli %add3A_9, %mul3A_10 : i32
    %dma_start3A_12 = tpu.memref_slice %arg2[%mul3A_11] : memref<3276800xi32, #tpu.memory_space<hbm>> -> memref<800xi32, #tpu.memory_space<hbm>>
    %dma_start3A_13 = tpu.memref_slice %arg2[%mul3A_11] : memref<3276800xi32, #tpu.memory_space<hbm>> -> memref<800xi32, #tpu.memory_space<hbm>>
    tpu.enqueue_dma source(%dma_start3A_13 : memref<800xi32, #tpu.memory_space<hbm>>) target(%arg6 : memref<800xi32, #tpu.memory_space<vmem>>) target_semaphore(%arg14 : memref<!tpu.dma_semaphore, #tpu.memory_space<semaphore_mem>>)
    %dma_wait3A = arith.constant 0 : i32
    %dma_wait3A_14 = tpu.memref_slice %arg2[%dma_wait3A] : memref<3276800xi32, #tpu.memory_space<hbm>> -> memref<800xi32, #tpu.memory_space<hbm>>
    %dma_wait3A_15 = arith.constant 0 : i32
    %dma_wait3A_16 = tpu.memref_slice %arg2[%dma_wait3A_15] : memref<3276800xi32, #tpu.memory_space<hbm>> -> memref<800xi32, #tpu.memory_space<hbm>>
    tpu.wait_dma2 semaphore(%arg13 : memref<!tpu.dma_semaphore, #tpu.memory_space<semaphore_mem>>) src(%dma_wait3A_16 : memref<800xi32, #tpu.memory_space<hbm>>) dst(%arg5 : memref<800xi32, #tpu.memory_space<vmem>>)
    %dma_start3A_17 = arith.constant 0 : i32
    %dma_start3A_18 = arith.constant 0 : i32
    %dma_start3A_19 = arith.constant 0 : i32
    %dma_start3A_20 = tpu.memref_slice %arg7[%dma_start3A_17, %dma_start3A_18, %dma_start3A_19] : memref<4x200x64xf32, #tpu.memory_space<vmem>> -> memref<1x200x64xf32, #tpu.memory_space<vmem>>
    %dma_start3A_21 = tpu.memref_squeeze %dma_start3A_20 : memref<1x200x64xf32, #tpu.memory_space<vmem>> -> memref<200x64xf32, #tpu.memory_space<vmem>>
    %dma_start3A_22 = arith.constant 0 : i32
    %dma_start3A_23 = tpu.memref_slice %arg5[%dma_start3A_22] : memref<800xi32, #tpu.memory_space<vmem>> -> memref<200xi32, #tpu.memory_space<vmem>>
    %dma_start3A_24 = arith.constant 0 : i32
    %dma_start3A_25 = arith.constant 0 : i32
    %dma_start3A_26 = tpu.memref_slice %arg3[%dma_start3A_24, %dma_start3A_25] : memref<100000x64xf32, #tpu.memory_space<hbm>> -> memref<100000x64xf32, #tpu.memory_space<hbm>>
    tpu.enqueue_indirect_dma source(%dma_start3A_26 : memref<100000x64xf32, #tpu.memory_space<hbm>>) target(%dma_start3A_21 : memref<200x64xf32, #tpu.memory_space<vmem>>) offsets(%dma_start3A_23 : memref<200xi32, #tpu.memory_space<vmem>>) semaphore(%arg9 : memref<!tpu.dma_semaphore, #tpu.memory_space<semaphore_mem>>)
    %dma_start3A_27 = arith.constant 1 : i32
    %dma_start3A_28 = arith.constant 0 : i32
    %dma_start3A_29 = arith.constant 0 : i32
    %dma_start3A_30 = tpu.memref_slice %arg7[%dma_start3A_27, %dma_start3A_28, %dma_start3A_29] : memref<4x200x64xf32, #tpu.memory_space<vmem>> -> memref<1x200x64xf32, #tpu.memory_space<vmem>>
    %dma_start3A_31 = tpu.memref_squeeze %dma_start3A_30 : memref<1x200x64xf32, #tpu.memory_space<vmem>> -> memref<200x64xf32, #tpu.memory_space<vmem>>
    %dma_start3A_32 = arith.constant 200 : i32
    %dma_start3A_33 = tpu.memref_slice %arg5[%dma_start3A_32] : memref<800xi32, #tpu.memory_space<vmem>> -> memref<200xi32, #tpu.memory_space<vmem>>
    %dma_start3A_34 = arith.constant 0 : i32
    %dma_start3A_35 = arith.constant 0 : i32
    %dma_start3A_36 = tpu.memref_slice %arg3[%dma_start3A_34, %dma_start3A_35] : memref<100000x64xf32, #tpu.memory_space<hbm>> -> memref<100000x64xf32, #tpu.memory_space<hbm>>
    tpu.enqueue_indirect_dma source(%dma_start3A_36 : memref<100000x64xf32, #tpu.memory_space<hbm>>) target(%dma_start3A_31 : memref<200x64xf32, #tpu.memory_space<vmem>>) offsets(%dma_start3A_33 : memref<200xi32, #tpu.memory_space<vmem>>) semaphore(%arg9 : memref<!tpu.dma_semaphore, #tpu.memory_space<semaphore_mem>>)
    %dma_start3A_37 = arith.constant 2 : i32
    %dma_start3A_38 = arith.constant 0 : i32
    %dma_start3A_39 = arith.constant 0 : i32
    %dma_start3A_40 = tpu.memref_slice %arg7[%dma_start3A_37, %dma_start3A_38, %dma_start3A_39] : memref<4x200x64xf32, #tpu.memory_space<vmem>> -> memref<1x200x64xf32, #tpu.memory_space<vmem>>
    %dma_start3A_41 = tpu.memref_squeeze %dma_start3A_40 : memref<1x200x64xf32, #tpu.memory_space<vmem>> -> memref<200x64xf32, #tpu.memory_space<vmem>>
    %dma_start3A_42 = arith.constant 400 : i32
    %dma_start3A_43 = tpu.memref_slice %arg5[%dma_start3A_42] : memref<800xi32, #tpu.memory_space<vmem>> -> memref<200xi32, #tpu.memory_space<vmem>>
    %dma_start3A_44 = arith.constant 0 : i32
    %dma_start3A_45 = arith.constant 0 : i32
    %dma_start3A_46 = tpu.memref_slice %arg3[%dma_start3A_44, %dma_start3A_45] : memref<100000x64xf32, #tpu.memory_space<hbm>> -> memref<100000x64xf32, #tpu.memory_space<hbm>>
    tpu.enqueue_indirect_dma source(%dma_start3A_46 : memref<100000x64xf32, #tpu.memory_space<hbm>>) target(%dma_start3A_41 : memref<200x64xf32, #tpu.memory_space<vmem>>) offsets(%dma_start3A_43 : memref<200xi32, #tpu.memory_space<vmem>>) semaphore(%arg9 : memref<!tpu.dma_semaphore, #tpu.memory_space<semaphore_mem>>)
    %dma_start3A_47 = arith.constant 3 : i32
    %dma_start3A_48 = arith.constant 0 : i32
    %dma_start3A_49 = arith.constant 0 : i32
    %dma_start3A_50 = tpu.memref_slice %arg7[%dma_start3A_47, %dma_start3A_48, %dma_start3A_49] : memref<4x200x64xf32, #tpu.memory_space<vmem>> -> memref<1x200x64xf32, #tpu.memory_space<vmem>>
    %dma_start3A_51 = tpu.memref_squeeze %dma_start3A_50 : memref<1x200x64xf32, #tpu.memory_space<vmem>> -> memref<200x64xf32, #tpu.memory_space<vmem>>
    %dma_start3A_52 = arith.constant 600 : i32
    %dma_start3A_53 = tpu.memref_slice %arg5[%dma_start3A_52] : memref<800xi32, #tpu.memory_space<vmem>> -> memref<200xi32, #tpu.memory_space<vmem>>
    %dma_start3A_54 = arith.constant 0 : i32
    %dma_start3A_55 = arith.constant 0 : i32
    %dma_start3A_56 = tpu.memref_slice %arg3[%dma_start3A_54, %dma_start3A_55] : memref<100000x64xf32, #tpu.memory_space<hbm>> -> memref<100000x64xf32, #tpu.memory_space<hbm>>
    tpu.enqueue_indirect_dma source(%dma_start3A_56 : memref<100000x64xf32, #tpu.memory_space<hbm>>) target(%dma_start3A_51 : memref<200x64xf32, #tpu.memory_space<vmem>>) offsets(%dma_start3A_53 : memref<200xi32, #tpu.memory_space<vmem>>) semaphore(%arg9 : memref<!tpu.dma_semaphore, #tpu.memory_space<semaphore_mem>>)
    %dma_wait3A_57 = arith.constant 0 : i32
    %dma_wait3A_58 = tpu.memref_slice %arg2[%dma_wait3A_57] : memref<3276800xi32, #tpu.memory_space<hbm>> -> memref<800xi32, #tpu.memory_space<hbm>>
    %dma_wait3A_59 = arith.constant 0 : i32
    %dma_wait3A_60 = tpu.memref_slice %arg2[%dma_wait3A_59] : memref<3276800xi32, #tpu.memory_space<hbm>> -> memref<800xi32, #tpu.memory_space<hbm>>
    tpu.wait_dma2 semaphore(%arg14 : memref<!tpu.dma_semaphore, #tpu.memory_space<semaphore_mem>>) src(%dma_wait3A_60 : memref<800xi32, #tpu.memory_space<hbm>>) dst(%arg6 : memref<800xi32, #tpu.memory_space<vmem>>)
    %dma_start3A_61 = arith.constant 0 : i32
    %dma_start3A_62 = arith.constant 0 : i32
    %dma_start3A_63 = arith.constant 0 : i32
    %dma_start3A_64 = tpu.memref_slice %arg8[%dma_start3A_61, %dma_start3A_62, %dma_start3A_63] : memref<4x200x64xf32, #tpu.memory_space<vmem>> -> memref<1x200x64xf32, #tpu.memory_space<vmem>>
    %dma_start3A_65 = tpu.memref_squeeze %dma_start3A_64 : memref<1x200x64xf32, #tpu.memory_space<vmem>> -> memref<200x64xf32, #tpu.memory_space<vmem>>
    %dma_start3A_66 = arith.constant 0 : i32
    %dma_start3A_67 = tpu.memref_slice %arg6[%dma_start3A_66] : memref<800xi32, #tpu.memory_space<vmem>> -> memref<200xi32, #tpu.memory_space<vmem>>
    %dma_start3A_68 = arith.constant 0 : i32
    %dma_start3A_69 = arith.constant 0 : i32
    %dma_start3A_70 = tpu.memref_slice %arg3[%dma_start3A_68, %dma_start3A_69] : memref<100000x64xf32, #tpu.memory_space<hbm>> -> memref<100000x64xf32, #tpu.memory_space<hbm>>
    tpu.enqueue_indirect_dma source(%dma_start3A_70 : memref<100000x64xf32, #tpu.memory_space<hbm>>) target(%dma_start3A_65 : memref<200x64xf32, #tpu.memory_space<vmem>>) offsets(%dma_start3A_67 : memref<200xi32, #tpu.memory_space<vmem>>) semaphore(%arg10 : memref<!tpu.dma_semaphore, #tpu.memory_space<semaphore_mem>>)
    %dma_start3A_71 = arith.constant 1 : i32
    %dma_start3A_72 = arith.constant 0 : i32
    %dma_start3A_73 = arith.constant 0 : i32
    %dma_start3A_74 = tpu.memref_slice %arg8[%dma_start3A_71, %dma_start3A_72, %dma_start3A_73] : memref<4x200x64xf32, #tpu.memory_space<vmem>> -> memref<1x200x64xf32, #tpu.memory_space<vmem>>
    %dma_start3A_75 = tpu.memref_squeeze %dma_start3A_74 : memref<1x200x64xf32, #tpu.memory_space<vmem>> -> memref<200x64xf32, #tpu.memory_space<vmem>>
    %dma_start3A_76 = arith.constant 200 : i32
    %dma_start3A_77 = tpu.memref_slice %arg6[%dma_start3A_76] : memref<800xi32, #tpu.memory_space<vmem>> -> memref<200xi32, #tpu.memory_space<vmem>>
    %dma_start3A_78 = arith.constant 0 : i32
    %dma_start3A_79 = arith.constant 0 : i32
    %dma_start3A_80 = tpu.memref_slice %arg3[%dma_start3A_78, %dma_start3A_79] : memref<100000x64xf32, #tpu.memory_space<hbm>> -> memref<100000x64xf32, #tpu.memory_space<hbm>>
    tpu.enqueue_indirect_dma source(%dma_start3A_80 : memref<100000x64xf32, #tpu.memory_space<hbm>>) target(%dma_start3A_75 : memref<200x64xf32, #tpu.memory_space<vmem>>) offsets(%dma_start3A_77 : memref<200xi32, #tpu.memory_space<vmem>>) semaphore(%arg10 : memref<!tpu.dma_semaphore, #tpu.memory_space<semaphore_mem>>)
    %dma_start3A_81 = arith.constant 2 : i32
    %dma_start3A_82 = arith.constant 0 : i32
    %dma_start3A_83 = arith.constant 0 : i32
    %dma_start3A_84 = tpu.memref_slice %arg8[%dma_start3A_81, %dma_start3A_82, %dma_start3A_83] : memref<4x200x64xf32, #tpu.memory_space<vmem>> -> memref<1x200x64xf32, #tpu.memory_space<vmem>>
    %dma_start3A_85 = tpu.memref_squeeze %dma_start3A_84 : memref<1x200x64xf32, #tpu.memory_space<vmem>> -> memref<200x64xf32, #tpu.memory_space<vmem>>
    %dma_start3A_86 = arith.constant 400 : i32
    %dma_start3A_87 = tpu.memref_slice %arg6[%dma_start3A_86] : memref<800xi32, #tpu.memory_space<vmem>> -> memref<200xi32, #tpu.memory_space<vmem>>
    %dma_start3A_88 = arith.constant 0 : i32
    %dma_start3A_89 = arith.constant 0 : i32
    %dma_start3A_90 = tpu.memref_slice %arg3[%dma_start3A_88, %dma_start3A_89] : memref<100000x64xf32, #tpu.memory_space<hbm>> -> memref<100000x64xf32, #tpu.memory_space<hbm>>
    tpu.enqueue_indirect_dma source(%dma_start3A_90 : memref<100000x64xf32, #tpu.memory_space<hbm>>) target(%dma_start3A_85 : memref<200x64xf32, #tpu.memory_space<vmem>>) offsets(%dma_start3A_87 : memref<200xi32, #tpu.memory_space<vmem>>) semaphore(%arg10 : memref<!tpu.dma_semaphore, #tpu.memory_space<semaphore_mem>>)
    %dma_start3A_91 = arith.constant 3 : i32
    %dma_start3A_92 = arith.constant 0 : i32
    %dma_start3A_93 = arith.constant 0 : i32
    %dma_start3A_94 = tpu.memref_slice %arg8[%dma_start3A_91, %dma_start3A_92, %dma_start3A_93] : memref<4x200x64xf32, #tpu.memory_space<vmem>> -> memref<1x200x64xf32, #tpu.memory_space<vmem>>
    %dma_start3A_95 = tpu.memref_squeeze %dma_start3A_94 : memref<1x200x64xf32, #tpu.memory_space<vmem>> -> memref<200x64xf32, #tpu.memory_space<vmem>>
    %dma_start3A_96 = arith.constant 600 : i32
    %dma_start3A_97 = tpu.memref_slice %arg6[%dma_start3A_96] : memref<800xi32, #tpu.memory_space<vmem>> -> memref<200xi32, #tpu.memory_space<vmem>>
    %dma_start3A_98 = arith.constant 0 : i32
    %dma_start3A_99 = arith.constant 0 : i32
    %dma_start3A_100 = tpu.memref_slice %arg3[%dma_start3A_98, %dma_start3A_99] : memref<100000x64xf32, #tpu.memory_space<hbm>> -> memref<100000x64xf32, #tpu.memory_space<hbm>>
    tpu.enqueue_indirect_dma source(%dma_start3A_100 : memref<100000x64xf32, #tpu.memory_space<hbm>>) target(%dma_start3A_95 : memref<200x64xf32, #tpu.memory_space<vmem>>) offsets(%dma_start3A_97 : memref<200xi32, #tpu.memory_space<vmem>>) semaphore(%arg10 : memref<!tpu.dma_semaphore, #tpu.memory_space<semaphore_mem>>)
    %scan3A = arith.constant 0 : i32
    %scan3A_101 = arith.constant 0 : i32
    %scan3A_102 = arith.constant 63 : i32
    %scan3A_103 = arith.addi %scan3A_101, %scan3A_102 : i32
    %scan3A_104 = arith.constant 1 : i32
    scf.for %scan3A_154 = %scan3A_101 to %scan3A_103 step %scan3A_104  : i32 {
      %mul3A_155 = arith.constant 2 : i32
      %mul3A_156 = arith.muli %scan3A_154, %mul3A_155 : i32
      %add3A_157 = arith.constant 0 : i32
      %add3A_158 = arith.addi %mul3A_156, %add3A_157 : i32
      %dma_wait3A_159 = arith.constant 0 : i32
      %dma_wait3A_160 = arith.constant 0 : i32
      %dma_wait3A_161 = arith.constant 0 : i32
      %dma_wait3A_162 = tpu.memref_slice %arg4[%dma_wait3A_159, %dma_wait3A_160, %dma_wait3A_161] : memref<16384x200x64xf32, #tpu.memory_space<hbm>> -> memref<4x200x64xf32, #tpu.memory_space<hbm>>
      %dma_wait3A_163 = arith.constant 0 : i32
      %dma_wait3A_164 = arith.constant 0 : i32
      %dma_wait3A_165 = arith.constant 0 : i32
      %dma_wait3A_166 = tpu.memref_slice %arg4[%dma_wait3A_163, %dma_wait3A_164, %dma_wait3A_165] : memref<16384x200x64xf32, #tpu.memory_space<hbm>> -> memref<4x200x64xf32, #tpu.memory_space<hbm>>
      tpu.wait_dma2 semaphore(%arg9 : memref<!tpu.dma_semaphore, #tpu.memory_space<semaphore_mem>>) src(%dma_wait3A_166 : memref<4x200x64xf32, #tpu.memory_space<hbm>>) dst(%arg7 : memref<4x200x64xf32, #tpu.memory_space<vmem>>)
      %add3A_167 = arith.constant 2 : i32
      %add3A_168 = arith.addi %add3A_158, %add3A_167 : i32
      %mul3A_169 = arith.constant 4 : i32
      %mul3A_170 = arith.muli %add3A_168, %mul3A_169 : i32
      %add3A_171 = arith.addi %mul3A_2, %mul3A_170 : i32
      %mul3A_172 = arith.constant 200 : i32
      %mul3A_173 = arith.muli %add3A_171, %mul3A_172 : i32
      %dma_start3A_174 = tpu.memref_slice %arg2[%mul3A_173] : memref<3276800xi32, #tpu.memory_space<hbm>> -> memref<800xi32, #tpu.memory_space<hbm>>
      %dma_start3A_175 = tpu.memref_slice %arg2[%mul3A_173] : memref<3276800xi32, #tpu.memory_space<hbm>> -> memref<800xi32, #tpu.memory_space<hbm>>
      tpu.enqueue_dma source(%dma_start3A_175 : memref<800xi32, #tpu.memory_space<hbm>>) target(%arg5 : memref<800xi32, #tpu.memory_space<vmem>>) target_semaphore(%arg13 : memref<!tpu.dma_semaphore, #tpu.memory_space<semaphore_mem>>)
      %mul3A_176 = arith.constant 4 : i32
      %mul3A_177 = arith.muli %add3A_158, %mul3A_176 : i32
      %add3A_178 = arith.addi %mul3A_2, %mul3A_177 : i32
      %dma_start3A_179 = arith.constant 0 : i32
      %dma_start3A_180 = arith.constant 0 : i32
      %dma_start3A_181 = tpu.memref_slice %arg4[%add3A_178, %dma_start3A_179, %dma_start3A_180] : memref<16384x200x64xf32, #tpu.memory_space<hbm>> -> memref<4x200x64xf32, #tpu.memory_space<hbm>>
      %dma_start3A_182 = arith.constant 0 : i32
      %dma_start3A_183 = arith.constant 0 : i32
      %dma_start3A_184 = tpu.memref_slice %arg4[%add3A_178, %dma_start3A_182, %dma_start3A_183] : memref<16384x200x64xf32, #tpu.memory_space<hbm>> -> memref<4x200x64xf32, #tpu.memory_space<hbm>>
      tpu.enqueue_dma source(%arg7 : memref<4x200x64xf32, #tpu.memory_space<vmem>>) target(%dma_start3A_184 : memref<4x200x64xf32, #tpu.memory_space<hbm>>) target_semaphore(%arg11 : memref<!tpu.dma_semaphore, #tpu.memory_space<semaphore_mem>>)
      %dma_wait3A_185 = arith.constant 0 : i32
      %dma_wait3A_186 = arith.constant 0 : i32
      %dma_wait3A_187 = arith.constant 0 : i32
      %dma_wait3A_188 = tpu.memref_slice %arg4[%dma_wait3A_185, %dma_wait3A_186, %dma_wait3A_187] : memref<16384x200x64xf32, #tpu.memory_space<hbm>> -> memref<4x200x64xf32, #tpu.memory_space<hbm>>
      %dma_wait3A_189 = arith.constant 0 : i32
      %dma_wait3A_190 = arith.constant 0 : i32
      %dma_wait3A_191 = arith.constant 0 : i32
      %dma_wait3A_192 = tpu.memref_slice %arg4[%dma_wait3A_189, %dma_wait3A_190, %dma_wait3A_191] : memref<16384x200x64xf32, #tpu.memory_space<hbm>> -> memref<4x200x64xf32, #tpu.memory_space<hbm>>
      tpu.wait_dma2 semaphore(%arg11 : memref<!tpu.dma_semaphore, #tpu.memory_space<semaphore_mem>>) src(%arg7 : memref<4x200x64xf32, #tpu.memory_space<vmem>>) dst(%dma_wait3A_192 : memref<4x200x64xf32, #tpu.memory_space<hbm>>)
      %dma_wait3A_193 = arith.constant 0 : i32
      %dma_wait3A_194 = tpu.memref_slice %arg2[%dma_wait3A_193] : memref<3276800xi32, #tpu.memory_space<hbm>> -> memref<800xi32, #tpu.memory_space<hbm>>
      %dma_wait3A_195 = arith.constant 0 : i32
      %dma_wait3A_196 = tpu.memref_slice %arg2[%dma_wait3A_195] : memref<3276800xi32, #tpu.memory_space<hbm>> -> memref<800xi32, #tpu.memory_space<hbm>>
      tpu.wait_dma2 semaphore(%arg13 : memref<!tpu.dma_semaphore, #tpu.memory_space<semaphore_mem>>) src(%dma_wait3A_196 : memref<800xi32, #tpu.memory_space<hbm>>) dst(%arg5 : memref<800xi32, #tpu.memory_space<vmem>>)
      %dma_start3A_197 = arith.constant 0 : i32
      %dma_start3A_198 = arith.constant 0 : i32
      %dma_start3A_199 = arith.constant 0 : i32
      %dma_start3A_200 = tpu.memref_slice %arg7[%dma_start3A_197, %dma_start3A_198, %dma_start3A_199] : memref<4x200x64xf32, #tpu.memory_space<vmem>> -> memref<1x200x64xf32, #tpu.memory_space<vmem>>
      %dma_start3A_201 = tpu.memref_squeeze %dma_start3A_200 : memref<1x200x64xf32, #tpu.memory_space<vmem>> -> memref<200x64xf32, #tpu.memory_space<vmem>>
      %dma_start3A_202 = arith.constant 0 : i32
      %dma_start3A_203 = tpu.memref_slice %arg5[%dma_start3A_202] : memref<800xi32, #tpu.memory_space<vmem>> -> memref<200xi32, #tpu.memory_space<vmem>>
      %dma_start3A_204 = arith.constant 0 : i32
      %dma_start3A_205 = arith.constant 0 : i32
      %dma_start3A_206 = tpu.memref_slice %arg3[%dma_start3A_204, %dma_start3A_205] : memref<100000x64xf32, #tpu.memory_space<hbm>> -> memref<100000x64xf32, #tpu.memory_space<hbm>>
      tpu.enqueue_indirect_dma source(%dma_start3A_206 : memref<100000x64xf32, #tpu.memory_space<hbm>>) target(%dma_start3A_201 : memref<200x64xf32, #tpu.memory_space<vmem>>) offsets(%dma_start3A_203 : memref<200xi32, #tpu.memory_space<vmem>>) semaphore(%arg9 : memref<!tpu.dma_semaphore, #tpu.memory_space<semaphore_mem>>)
      %dma_start3A_207 = arith.constant 1 : i32
      %dma_start3A_208 = arith.constant 0 : i32
      %dma_start3A_209 = arith.constant 0 : i32
      %dma_start3A_210 = tpu.memref_slice %arg7[%dma_start3A_207, %dma_start3A_208, %dma_start3A_209] : memref<4x200x64xf32, #tpu.memory_space<vmem>> -> memref<1x200x64xf32, #tpu.memory_space<vmem>>
      %dma_start3A_211 = tpu.memref_squeeze %dma_start3A_210 : memref<1x200x64xf32, #tpu.memory_space<vmem>> -> memref<200x64xf32, #tpu.memory_space<vmem>>
      %dma_start3A_212 = arith.constant 200 : i32
      %dma_start3A_213 = tpu.memref_slice %arg5[%dma_start3A_212] : memref<800xi32, #tpu.memory_space<vmem>> -> memref<200xi32, #tpu.memory_space<vmem>>
      %dma_start3A_214 = arith.constant 0 : i32
      %dma_start3A_215 = arith.constant 0 : i32
      %dma_start3A_216 = tpu.memref_slice %arg3[%dma_start3A_214, %dma_start3A_215] : memref<100000x64xf32, #tpu.memory_space<hbm>> -> memref<100000x64xf32, #tpu.memory_space<hbm>>
      tpu.enqueue_indirect_dma source(%dma_start3A_216 : memref<100000x64xf32, #tpu.memory_space<hbm>>) target(%dma_start3A_211 : memref<200x64xf32, #tpu.memory_space<vmem>>) offsets(%dma_start3A_213 : memref<200xi32, #tpu.memory_space<vmem>>) semaphore(%arg9 : memref<!tpu.dma_semaphore, #tpu.memory_space<semaphore_mem>>)
      %dma_start3A_217 = arith.constant 2 : i32
      %dma_start3A_218 = arith.constant 0 : i32
      %dma_start3A_219 = arith.constant 0 : i32
      %dma_start3A_220 = tpu.memref_slice %arg7[%dma_start3A_217, %dma_start3A_218, %dma_start3A_219] : memref<4x200x64xf32, #tpu.memory_space<vmem>> -> memref<1x200x64xf32, #tpu.memory_space<vmem>>
      %dma_start3A_221 = tpu.memref_squeeze %dma_start3A_220 : memref<1x200x64xf32, #tpu.memory_space<vmem>> -> memref<200x64xf32, #tpu.memory_space<vmem>>
      %dma_start3A_222 = arith.constant 400 : i32
      %dma_start3A_223 = tpu.memref_slice %arg5[%dma_start3A_222] : memref<800xi32, #tpu.memory_space<vmem>> -> memref<200xi32, #tpu.memory_space<vmem>>
      %dma_start3A_224 = arith.constant 0 : i32
      %dma_start3A_225 = arith.constant 0 : i32
      %dma_start3A_226 = tpu.memref_slice %arg3[%dma_start3A_224, %dma_start3A_225] : memref<100000x64xf32, #tpu.memory_space<hbm>> -> memref<100000x64xf32, #tpu.memory_space<hbm>>
      tpu.enqueue_indirect_dma source(%dma_start3A_226 : memref<100000x64xf32, #tpu.memory_space<hbm>>) target(%dma_start3A_221 : memref<200x64xf32, #tpu.memory_space<vmem>>) offsets(%dma_start3A_223 : memref<200xi32, #tpu.memory_space<vmem>>) semaphore(%arg9 : memref<!tpu.dma_semaphore, #tpu.memory_space<semaphore_mem>>)
      %dma_start3A_227 = arith.constant 3 : i32
      %dma_start3A_228 = arith.constant 0 : i32
      %dma_start3A_229 = arith.constant 0 : i32
      %dma_start3A_230 = tpu.memref_slice %arg7[%dma_start3A_227, %dma_start3A_228, %dma_start3A_229] : memref<4x200x64xf32, #tpu.memory_space<vmem>> -> memref<1x200x64xf32, #tpu.memory_space<vmem>>
      %dma_start3A_231 = tpu.memref_squeeze %dma_start3A_230 : memref<1x200x64xf32, #tpu.memory_space<vmem>> -> memref<200x64xf32, #tpu.memory_space<vmem>>
      %dma_start3A_232 = arith.constant 600 : i32
      %dma_start3A_233 = tpu.memref_slice %arg5[%dma_start3A_232] : memref<800xi32, #tpu.memory_space<vmem>> -> memref<200xi32, #tpu.memory_space<vmem>>
      %dma_start3A_234 = arith.constant 0 : i32
      %dma_start3A_235 = arith.constant 0 : i32
      %dma_start3A_236 = tpu.memref_slice %arg3[%dma_start3A_234, %dma_start3A_235] : memref<100000x64xf32, #tpu.memory_space<hbm>> -> memref<100000x64xf32, #tpu.memory_space<hbm>>
      tpu.enqueue_indirect_dma source(%dma_start3A_236 : memref<100000x64xf32, #tpu.memory_space<hbm>>) target(%dma_start3A_231 : memref<200x64xf32, #tpu.memory_space<vmem>>) offsets(%dma_start3A_233 : memref<200xi32, #tpu.memory_space<vmem>>) semaphore(%arg9 : memref<!tpu.dma_semaphore, #tpu.memory_space<semaphore_mem>>)
      %mul3A_237 = arith.constant 2 : i32
      %mul3A_238 = arith.muli %scan3A_154, %mul3A_237 : i32
      %add3A_239 = arith.constant 1 : i32
      %add3A_240 = arith.addi %mul3A_238, %add3A_239 : i32
      %dma_wait3A_241 = arith.constant 0 : i32
      %dma_wait3A_242 = arith.constant 0 : i32
      %dma_wait3A_243 = arith.constant 0 : i32
      %dma_wait3A_244 = tpu.memref_slice %arg4[%dma_wait3A_241, %dma_wait3A_242, %dma_wait3A_243] : memref<16384x200x64xf32, #tpu.memory_space<hbm>> -> memref<4x200x64xf32, #tpu.memory_space<hbm>>
      %dma_wait3A_245 = arith.constant 0 : i32
      %dma_wait3A_246 = arith.constant 0 : i32
      %dma_wait3A_247 = arith.constant 0 : i32
      %dma_wait3A_248 = tpu.memref_slice %arg4[%dma_wait3A_245, %dma_wait3A_246, %dma_wait3A_247] : memref<16384x200x64xf32, #tpu.memory_space<hbm>> -> memref<4x200x64xf32, #tpu.memory_space<hbm>>
      tpu.wait_dma2 semaphore(%arg10 : memref<!tpu.dma_semaphore, #tpu.memory_space<semaphore_mem>>) src(%dma_wait3A_248 : memref<4x200x64xf32, #tpu.memory_space<hbm>>) dst(%arg8 : memref<4x200x64xf32, #tpu.memory_space<vmem>>)
      %add3A_249 = arith.constant 2 : i32
      %add3A_250 = arith.addi %add3A_240, %add3A_249 : i32
      %mul3A_251 = arith.constant 4 : i32
      %mul3A_252 = arith.muli %add3A_250, %mul3A_251 : i32
      %add3A_253 = arith.addi %mul3A_2, %mul3A_252 : i32
      %mul3A_254 = arith.constant 200 : i32
      %mul3A_255 = arith.muli %add3A_253, %mul3A_254 : i32
      %dma_start3A_256 = tpu.memref_slice %arg2[%mul3A_255] : memref<3276800xi32, #tpu.memory_space<hbm>> -> memref<800xi32, #tpu.memory_space<hbm>>
      %dma_start3A_257 = tpu.memref_slice %arg2[%mul3A_255] : memref<3276800xi32, #tpu.memory_space<hbm>> -> memref<800xi32, #tpu.memory_space<hbm>>
      tpu.enqueue_dma source(%dma_start3A_257 : memref<800xi32, #tpu.memory_space<hbm>>) target(%arg6 : memref<800xi32, #tpu.memory_space<vmem>>) target_semaphore(%arg14 : memref<!tpu.dma_semaphore, #tpu.memory_space<semaphore_mem>>)
      %mul3A_258 = arith.constant 4 : i32
      %mul3A_259 = arith.muli %add3A_240, %mul3A_258 : i32
      %add3A_260 = arith.addi %mul3A_2, %mul3A_259 : i32
      %dma_start3A_261 = arith.constant 0 : i32
      %dma_start3A_262 = arith.constant 0 : i32
      %dma_start3A_263 = tpu.memref_slice %arg4[%add3A_260, %dma_start3A_261, %dma_start3A_262] : memref<16384x200x64xf32, #tpu.memory_space<hbm>> -> memref<4x200x64xf32, #tpu.memory_space<hbm>>
      %dma_start3A_264 = arith.constant 0 : i32
      %dma_start3A_265 = arith.constant 0 : i32
      %dma_start3A_266 = tpu.memref_slice %arg4[%add3A_260, %dma_start3A_264, %dma_start3A_265] : memref<16384x200x64xf32, #tpu.memory_space<hbm>> -> memref<4x200x64xf32, #tpu.memory_space<hbm>>
      tpu.enqueue_dma source(%arg8 : memref<4x200x64xf32, #tpu.memory_space<vmem>>) target(%dma_start3A_266 : memref<4x200x64xf32, #tpu.memory_space<hbm>>) target_semaphore(%arg12 : memref<!tpu.dma_semaphore, #tpu.memory_space<semaphore_mem>>)
      %dma_wait3A_267 = arith.constant 0 : i32
      %dma_wait3A_268 = arith.constant 0 : i32
      %dma_wait3A_269 = arith.constant 0 : i32
      %dma_wait3A_270 = tpu.memref_slice %arg4[%dma_wait3A_267, %dma_wait3A_268, %dma_wait3A_269] : memref<16384x200x64xf32, #tpu.memory_space<hbm>> -> memref<4x200x64xf32, #tpu.memory_space<hbm>>
      %dma_wait3A_271 = arith.constant 0 : i32
      %dma_wait3A_272 = arith.constant 0 : i32
      %dma_wait3A_273 = arith.constant 0 : i32
      %dma_wait3A_274 = tpu.memref_slice %arg4[%dma_wait3A_271, %dma_wait3A_272, %dma_wait3A_273] : memref<16384x200x64xf32, #tpu.memory_space<hbm>> -> memref<4x200x64xf32, #tpu.memory_space<hbm>>
      tpu.wait_dma2 semaphore(%arg12 : memref<!tpu.dma_semaphore, #tpu.memory_space<semaphore_mem>>) src(%arg8 : memref<4x200x64xf32, #tpu.memory_space<vmem>>) dst(%dma_wait3A_274 : memref<4x200x64xf32, #tpu.memory_space<hbm>>)
      %dma_wait3A_275 = arith.constant 0 : i32
      %dma_wait3A_276 = tpu.memref_slice %arg2[%dma_wait3A_275] : memref<3276800xi32, #tpu.memory_space<hbm>> -> memref<800xi32, #tpu.memory_space<hbm>>
      %dma_wait3A_277 = arith.constant 0 : i32
      %dma_wait3A_278 = tpu.memref_slice %arg2[%dma_wait3A_277] : memref<3276800xi32, #tpu.memory_space<hbm>> -> memref<800xi32, #tpu.memory_space<hbm>>
      tpu.wait_dma2 semaphore(%arg14 : memref<!tpu.dma_semaphore, #tpu.memory_space<semaphore_mem>>) src(%dma_wait3A_278 : memref<800xi32, #tpu.memory_space<hbm>>) dst(%arg6 : memref<800xi32, #tpu.memory_space<vmem>>)
      %dma_start3A_279 = arith.constant 0 : i32
      %dma_start3A_280 = arith.constant 0 : i32
      %dma_start3A_281 = arith.constant 0 : i32
      %dma_start3A_282 = tpu.memref_slice %arg8[%dma_start3A_279, %dma_start3A_280, %dma_start3A_281] : memref<4x200x64xf32, #tpu.memory_space<vmem>> -> memref<1x200x64xf32, #tpu.memory_space<vmem>>
      %dma_start3A_283 = tpu.memref_squeeze %dma_start3A_282 : memref<1x200x64xf32, #tpu.memory_space<vmem>> -> memref<200x64xf32, #tpu.memory_space<vmem>>
      %dma_start3A_284 = arith.constant 0 : i32
      %dma_start3A_285 = tpu.memref_slice %arg6[%dma_start3A_284] : memref<800xi32, #tpu.memory_space<vmem>> -> memref<200xi32, #tpu.memory_space<vmem>>
      %dma_start3A_286 = arith.constant 0 : i32
      %dma_start3A_287 = arith.constant 0 : i32
      %dma_start3A_288 = tpu.memref_slice %arg3[%dma_start3A_286, %dma_start3A_287] : memref<100000x64xf32, #tpu.memory_space<hbm>> -> memref<100000x64xf32, #tpu.memory_space<hbm>>
      tpu.enqueue_indirect_dma source(%dma_start3A_288 : memref<100000x64xf32, #tpu.memory_space<hbm>>) target(%dma_start3A_283 : memref<200x64xf32, #tpu.memory_space<vmem>>) offsets(%dma_start3A_285 : memref<200xi32, #tpu.memory_space<vmem>>) semaphore(%arg10 : memref<!tpu.dma_semaphore, #tpu.memory_space<semaphore_mem>>)
      %dma_start3A_289 = arith.constant 1 : i32
      %dma_start3A_290 = arith.constant 0 : i32
      %dma_start3A_291 = arith.constant 0 : i32
      %dma_start3A_292 = tpu.memref_slice %arg8[%dma_start3A_289, %dma_start3A_290, %dma_start3A_291] : memref<4x200x64xf32, #tpu.memory_space<vmem>> -> memref<1x200x64xf32, #tpu.memory_space<vmem>>
      %dma_start3A_293 = tpu.memref_squeeze %dma_start3A_292 : memref<1x200x64xf32, #tpu.memory_space<vmem>> -> memref<200x64xf32, #tpu.memory_space<vmem>>
      %dma_start3A_294 = arith.constant 200 : i32
      %dma_start3A_295 = tpu.memref_slice %arg6[%dma_start3A_294] : memref<800xi32, #tpu.memory_space<vmem>> -> memref<200xi32, #tpu.memory_space<vmem>>
      %dma_start3A_296 = arith.constant 0 : i32
      %dma_start3A_297 = arith.constant 0 : i32
      %dma_start3A_298 = tpu.memref_slice %arg3[%dma_start3A_296, %dma_start3A_297] : memref<100000x64xf32, #tpu.memory_space<hbm>> -> memref<100000x64xf32, #tpu.memory_space<hbm>>
      tpu.enqueue_indirect_dma source(%dma_start3A_298 : memref<100000x64xf32, #tpu.memory_space<hbm>>) target(%dma_start3A_293 : memref<200x64xf32, #tpu.memory_space<vmem>>) offsets(%dma_start3A_295 : memref<200xi32, #tpu.memory_space<vmem>>) semaphore(%arg10 : memref<!tpu.dma_semaphore, #tpu.memory_space<semaphore_mem>>)
      %dma_start3A_299 = arith.constant 2 : i32
      %dma_start3A_300 = arith.constant 0 : i32
      %dma_start3A_301 = arith.constant 0 : i32
      %dma_start3A_302 = tpu.memref_slice %arg8[%dma_start3A_299, %dma_start3A_300, %dma_start3A_301] : memref<4x200x64xf32, #tpu.memory_space<vmem>> -> memref<1x200x64xf32, #tpu.memory_space<vmem>>
      %dma_start3A_303 = tpu.memref_squeeze %dma_start3A_302 : memref<1x200x64xf32, #tpu.memory_space<vmem>> -> memref<200x64xf32, #tpu.memory_space<vmem>>
      %dma_start3A_304 = arith.constant 400 : i32
      %dma_start3A_305 = tpu.memref_slice %arg6[%dma_start3A_304] : memref<800xi32, #tpu.memory_space<vmem>> -> memref<200xi32, #tpu.memory_space<vmem>>
      %dma_start3A_306 = arith.constant 0 : i32
      %dma_start3A_307 = arith.constant 0 : i32
      %dma_start3A_308 = tpu.memref_slice %arg3[%dma_start3A_306, %dma_start3A_307] : memref<100000x64xf32, #tpu.memory_space<hbm>> -> memref<100000x64xf32, #tpu.memory_space<hbm>>
      tpu.enqueue_indirect_dma source(%dma_start3A_308 : memref<100000x64xf32, #tpu.memory_space<hbm>>) target(%dma_start3A_303 : memref<200x64xf32, #tpu.memory_space<vmem>>) offsets(%dma_start3A_305 : memref<200xi32, #tpu.memory_space<vmem>>) semaphore(%arg10 : memref<!tpu.dma_semaphore, #tpu.memory_space<semaphore_mem>>)
      %dma_start3A_309 = arith.constant 3 : i32
      %dma_start3A_310 = arith.constant 0 : i32
      %dma_start3A_311 = arith.constant 0 : i32
      %dma_start3A_312 = tpu.memref_slice %arg8[%dma_start3A_309, %dma_start3A_310, %dma_start3A_311] : memref<4x200x64xf32, #tpu.memory_space<vmem>> -> memref<1x200x64xf32, #tpu.memory_space<vmem>>
      %dma_start3A_313 = tpu.memref_squeeze %dma_start3A_312 : memref<1x200x64xf32, #tpu.memory_space<vmem>> -> memref<200x64xf32, #tpu.memory_space<vmem>>
      %dma_start3A_314 = arith.constant 600 : i32
      %dma_start3A_315 = tpu.memref_slice %arg6[%dma_start3A_314] : memref<800xi32, #tpu.memory_space<vmem>> -> memref<200xi32, #tpu.memory_space<vmem>>
      %dma_start3A_316 = arith.constant 0 : i32
      %dma_start3A_317 = arith.constant 0 : i32
      %dma_start3A_318 = tpu.memref_slice %arg3[%dma_start3A_316, %dma_start3A_317] : memref<100000x64xf32, #tpu.memory_space<hbm>> -> memref<100000x64xf32, #tpu.memory_space<hbm>>
      tpu.enqueue_indirect_dma source(%dma_start3A_318 : memref<100000x64xf32, #tpu.memory_space<hbm>>) target(%dma_start3A_313 : memref<200x64xf32, #tpu.memory_space<vmem>>) offsets(%dma_start3A_315 : memref<200xi32, #tpu.memory_space<vmem>>) semaphore(%arg10 : memref<!tpu.dma_semaphore, #tpu.memory_space<semaphore_mem>>)
    }
    %scan3A_105 = arith.constant 63 : i32
    %dma_wait3A_106 = arith.constant 0 : i32
    %dma_wait3A_107 = arith.constant 0 : i32
    %dma_wait3A_108 = arith.constant 0 : i32
    %dma_wait3A_109 = tpu.memref_slice %arg4[%dma_wait3A_106, %dma_wait3A_107, %dma_wait3A_108] : memref<16384x200x64xf32, #tpu.memory_space<hbm>> -> memref<4x200x64xf32, #tpu.memory_space<hbm>>
    %dma_wait3A_110 = arith.constant 0 : i32
    %dma_wait3A_111 = arith.constant 0 : i32
    %dma_wait3A_112 = arith.constant 0 : i32
    %dma_wait3A_113 = tpu.memref_slice %arg4[%dma_wait3A_110, %dma_wait3A_111, %dma_wait3A_112] : memref<16384x200x64xf32, #tpu.memory_space<hbm>> -> memref<4x200x64xf32, #tpu.memory_space<hbm>>
    tpu.wait_dma2 semaphore(%arg9 : memref<!tpu.dma_semaphore, #tpu.memory_space<semaphore_mem>>) src(%dma_wait3A_113 : memref<4x200x64xf32, #tpu.memory_space<hbm>>) dst(%arg7 : memref<4x200x64xf32, #tpu.memory_space<vmem>>)
    %add3A_114 = arith.constant 504 : i32
    %add3A_115 = arith.addi %mul3A_2, %add3A_114 : i32
    %dma_start3A_116 = arith.constant 0 : i32
    %dma_start3A_117 = arith.constant 0 : i32
    %dma_start3A_118 = tpu.memref_slice %arg4[%add3A_115, %dma_start3A_116, %dma_start3A_117] : memref<16384x200x64xf32, #tpu.memory_space<hbm>> -> memref<4x200x64xf32, #tpu.memory_space<hbm>>
    %dma_start3A_119 = arith.constant 0 : i32
    %dma_start3A_120 = arith.constant 0 : i32
    %dma_start3A_121 = tpu.memref_slice %arg4[%add3A_115, %dma_start3A_119, %dma_start3A_120] : memref<16384x200x64xf32, #tpu.memory_space<hbm>> -> memref<4x200x64xf32, #tpu.memory_space<hbm>>
    tpu.enqueue_dma source(%arg7 : memref<4x200x64xf32, #tpu.memory_space<vmem>>) target(%dma_start3A_121 : memref<4x200x64xf32, #tpu.memory_space<hbm>>) target_semaphore(%arg11 : memref<!tpu.dma_semaphore, #tpu.memory_space<semaphore_mem>>)
    %dma_wait3A_122 = arith.constant 0 : i32
    %dma_wait3A_123 = arith.constant 0 : i32
    %dma_wait3A_124 = arith.constant 0 : i32
    %dma_wait3A_125 = tpu.memref_slice %arg4[%dma_wait3A_122, %dma_wait3A_123, %dma_wait3A_124] : memref<16384x200x64xf32, #tpu.memory_space<hbm>> -> memref<4x200x64xf32, #tpu.memory_space<hbm>>
    %dma_wait3A_126 = arith.constant 0 : i32
    %dma_wait3A_127 = arith.constant 0 : i32
    %dma_wait3A_128 = arith.constant 0 : i32
    %dma_wait3A_129 = tpu.memref_slice %arg4[%dma_wait3A_126, %dma_wait3A_127, %dma_wait3A_128] : memref<16384x200x64xf32, #tpu.memory_space<hbm>> -> memref<4x200x64xf32, #tpu.memory_space<hbm>>
    tpu.wait_dma2 semaphore(%arg10 : memref<!tpu.dma_semaphore, #tpu.memory_space<semaphore_mem>>) src(%dma_wait3A_129 : memref<4x200x64xf32, #tpu.memory_space<hbm>>) dst(%arg8 : memref<4x200x64xf32, #tpu.memory_space<vmem>>)
    %add3A_130 = arith.constant 508 : i32
    %add3A_131 = arith.addi %mul3A_2, %add3A_130 : i32
    %dma_start3A_132 = arith.constant 0 : i32
    %dma_start3A_133 = arith.constant 0 : i32
    %dma_start3A_134 = tpu.memref_slice %arg4[%add3A_131, %dma_start3A_132, %dma_start3A_133] : memref<16384x200x64xf32, #tpu.memory_space<hbm>> -> memref<4x200x64xf32, #tpu.memory_space<hbm>>
    %dma_start3A_135 = arith.constant 0 : i32
    %dma_start3A_136 = arith.constant 0 : i32
    %dma_start3A_137 = tpu.memref_slice %arg4[%add3A_131, %dma_start3A_135, %dma_start3A_136] : memref<16384x200x64xf32, #tpu.memory_space<hbm>> -> memref<4x200x64xf32, #tpu.memory_space<hbm>>
    tpu.enqueue_dma source(%arg8 : memref<4x200x64xf32, #tpu.memory_space<vmem>>) target(%dma_start3A_137 : memref<4x200x64xf32, #tpu.memory_space<hbm>>) target_semaphore(%arg12 : memref<!tpu.dma_semaphore, #tpu.memory_space<semaphore_mem>>)
    %dma_wait3A_138 = arith.constant 0 : i32
    %dma_wait3A_139 = arith.constant 0 : i32
    %dma_wait3A_140 = arith.constant 0 : i32
    %dma_wait3A_141 = tpu.memref_slice %arg4[%dma_wait3A_138, %dma_wait3A_139, %dma_wait3A_140] : memref<16384x200x64xf32, #tpu.memory_space<hbm>> -> memref<4x200x64xf32, #tpu.memory_space<hbm>>
    %dma_wait3A_142 = arith.constant 0 : i32
    %dma_wait3A_143 = arith.constant 0 : i32
    %dma_wait3A_144 = arith.constant 0 : i32
    %dma_wait3A_145 = tpu.memref_slice %arg4[%dma_wait3A_142, %dma_wait3A_143, %dma_wait3A_144] : memref<16384x200x64xf32, #tpu.memory_space<hbm>> -> memref<4x200x64xf32, #tpu.memory_space<hbm>>
    tpu.wait_dma2 semaphore(%arg11 : memref<!tpu.dma_semaphore, #tpu.memory_space<semaphore_mem>>) src(%arg7 : memref<4x200x64xf32, #tpu.memory_space<vmem>>) dst(%dma_wait3A_145 : memref<4x200x64xf32, #tpu.memory_space<hbm>>)
    %dma_wait3A_146 = arith.constant 0 : i32
    %dma_wait3A_147 = arith.constant 0 : i32
    %dma_wait3A_148 = arith.constant 0 : i32
    %dma_wait3A_149 = tpu.memref_slice %arg4[%dma_wait3A_146, %dma_wait3A_147, %dma_wait3A_148] : memref<16384x200x64xf32, #tpu.memory_space<hbm>> -> memref<4x200x64xf32, #tpu.memory_space<hbm>>
    %dma_wait3A_150 = arith.constant 0 : i32
    %dma_wait3A_151 = arith.constant 0 : i32
    %dma_wait3A_152 = arith.constant 0 : i32
    %dma_wait3A_153 = tpu.memref_slice %arg4[%dma_wait3A_150, %dma_wait3A_151, %dma_wait3A_152] : memref<16384x200x64xf32, #tpu.memory_space<hbm>> -> memref<4x200x64xf32, #tpu.memory_space<hbm>>
    tpu.wait_dma2 semaphore(%arg12 : memref<!tpu.dma_semaphore, #tpu.memory_space<semaphore_mem>>) src(%arg8 : memref<4x200x64xf32, #tpu.memory_space<vmem>>) dst(%dma_wait3A_153 : memref<4x200x64xf32, #tpu.memory_space<hbm>>)
    return
  }
}

</mosaic_0001>

<sc_bundles>
// kernel: kernel.3.cloned.1.call-start
scs
__scs_entry_jumppad:
0x0: {  	(pc) =	sbr.rel $0x88, $3  }
0x1: {  	(tag) =	ssettag $0x0;
	lr =	simm.s32 $0x1  }
0x2: {  	[smem:$0x3F9F] =	sst lr;
	_ =	strace $0xD0000000  }
0x3: {  	_ = 	snop  }
0x4: {  	_ = 	snop  }
0x5: {  	_ = 	snop  }
0x6: {  	_ = 	snop  }
0x7: {  	_ = 	snop  }
__scs_overlays_trampoline_lowered:
0x8: {  	[smem:$0x3FAE] =	sst s0  }
0x9: {  	[smem:$0x3FAF] =	sst s1  }
0xa: {  	[smem:$0x3FB0] =	sst s2  }
0xb: {  	[smem:$0x3FB1] =	sst s3  }
0xc: {  	[smem:$0x3FB2] =	sst s4  }
0xd: {  	[smem:$0x3FB3] =	sst s5  }
0xe: {  	[smem:$0x3FB4] =	sst s6  }
0xf: {  	[smem:$0x3FB5] =	sst s7  }
0x10: {  	[smem:$0x3FB6] =	sst s8  }
0x11: {  	[smem:$0x3FB7] =	sst s9;
	s0 =	simm.s32 @!p0 $0x0  }
0x12: {  	s1 =	sld [smem:$0x3F9D];
	s0 =	simm.s32 @p0 $0x1  }
0x13: {  	[smem:$0x3FB8] =	sst s0;
	s0 =	simm.s32 @!p1 $0x0  }
0x14: {  	s2 =	sld [smem:$0x3F9C];
	s0 =	simm.s32 @p1 $0x1  }
0x15: {  	[smem:$0x3FB9] =	sst s0;
	s0 =	simm.s32 @!p2 $0x0  }
0x16: {  	s3 =	sld [smem:$0x3FDB];
	s0 =	simm.s32 @p2 $0x1  }
0x17: {  	s4 =	simm.s32 $0x1BF5;
	[smem:$0x3FBB] =	sst s0  }
0x18: {  	s0 =	sld [smem:$0x3F9E];
	_ =	swait.ge [sflag:s4], $0x0  }
0x19: {  	s7 =	sld [smem:$0x3F9F]  }
0x1a: {  	s8 =	sadd.s32 $0xFFFFE003, lr  }
0x1b: {  	s9 =	sadd.s32 $0xFFFFFEF7, lr;
	s5 =	simm.s32 $0xFFFFFFFF;
	p2 =	slt.u32 s8, $0xFFFFF086  }
0x1c: {  	p1 =	slt.u32 s9, $0xF7A;
	s5 =	simm.s32 @!p2 $0x0  }
0x1d: {  	s5 =	simm.s32 @p1 $0x1;
	p0 =	seq.s32 s7, s2  }
0x1e: {  	s7 =	smul.u32 @!p0 $0xF7A, s2;
	p2 =	seq.s32 @!p0 s5, $0x0  }
0x1f: {  	s9 =	smul.u32 $0xF7A, s1;
	s8 =	simm.s32 @!p0 $0x1BF5;
	p2 =	por !p2, p0  }
0x20: {  	[sflag:s8] =	ssyncset.s32 @!p0 $0xFFFFF086;
	s6 =	sadd.s32 @!p0 s3, s7;
	s7 =	simm.s32 @!p0 $0x108  }
0x21: {  	s3 =	sadd.s32 s3, s9;
	s6 =	sadd.s32 @!p0 $0x88, s6;
	s7 =	simm.s32 @p2 $0x1082  }
0x22: {  	[simem:s7], [sflag:s8] =	dma.local @!p0 [hbm:s6], $0xF7A  }
0x23: {  	s9 =	sor.u32 $0xD0000000, s2;
	s6 =	simm.s32 $0x108;
	_ =	swait.ge @!p0 [sflag:s8], $0x0  }
0x24: {  	s3 =	sadd.s32 $0x88, s3;
	s6 =	simm.s32 @!p1 $0x1082;
	[sflag:s4] =	ssyncset.s32 $0xFFFFF086  }
0x25: {  	[simem:s6], [sflag:s4] =	dma.local [hbm:s3], $0xF7A  }
0x26: {  	[smem:$0x3F9F] =	sst s1;
	(tag) =	ssettag s2;
	_ =	strace s9  }
0x27: {  	s1 =	sld [smem:$0x3FAF]  }
0x28: {  	s2 =	sld [smem:$0x3FB0]  }
0x29: {  	s4 =	sld [smem:$0x3FB2]  }
0x2a: {  	p0 =	seq.s32 s5, $0x0;
	s5 =	sld [smem:$0x3FB3]  }
0x2b: {  	s6 =	sld [smem:$0x3FB4]  }
0x2c: {  	s7 =	sld [smem:$0x3FB5]  }
0x2d: {  	s3 =	simm.s32 $0x108;
	s8 =	sld [smem:$0x3FB6]  }
0x2e: {  	s3 =	simm.s32 @!p0 $0x1082;
	s9 =	sld [smem:$0x3FB7]  }
0x2f: {  	lr =	sadd.s32 s0, s3;
	s0 =	sld [smem:$0x3FAE]  }
0x30: {  	s3 =	sld [smem:$0x3FB1]  }
0x31: {  	[smem:$0x3FBA] =	sst s10  }
0x32: {  	s10 =	sld [smem:$0x3FB8];
	_ =	sdelay $0x3  }
0x33: {  	p0 =	seq.s32 s10, $0x1;
	s10 =	sld [smem:$0x3FBA];
	_ =	sdelay $0x3  }
0x34: {  	[smem:$0x3FBA] =	sst s10  }
0x35: {  	s10 =	sld [smem:$0x3FB9];
	_ =	sdelay $0x3  }
0x36: {  	p1 =	seq.s32 s10, $0x1;
	s10 =	sld [smem:$0x3FBA];
	_ =	sdelay $0x3  }
0x37: {  	[smem:$0x3FBA] =	sst s10  }
0x38: {  	s10 =	sld [smem:$0x3FBB]  }
0x39: {  	_ = 	snop;
	(pc) =	sbr.ind lr, $3  }
0x3a: {  	_ = 	snop  }
0x3b: {  	_ = 	snop  }
0x3c: {  	p2 =	seq.s32 s10, $0x1;
	s10 =	sld [smem:$0x3FBA]  }
0x3d: {  	_ =	shalt  }
0x3e: {  	_ =	shalt  }
0x3f: {  	_ =	shalt  }
0x40: {  	_ =	shalt  }
0x41: {  	_ =	shalt  }
0x42: {  	_ =	shalt  }
0x43: {  	_ =	shalt  }
0x44: {  	_ =	shalt  }
0x45: {  	_ =	shalt  }
0x46: {  	_ =	shalt  }
0x47: {  	_ =	shalt  }
0x48: {  	_ =	shalt  }
0x49: {  	_ =	shalt  }
0x4a: {  	_ =	shalt  }
0x4b: {  	_ =	shalt  }
0x4c: {  	_ =	shalt  }
0x4d: {  	_ =	shalt  }
0x4e: {  	_ =	shalt  }
0x4f: {  	_ =	shalt  }
0x50: {  	_ =	shalt  }
0x51: {  	_ =	shalt  }
0x52: {  	_ =	shalt  }
0x53: {  	_ =	shalt  }
0x54: {  	_ =	shalt  }
0x55: {  	_ =	shalt  }
0x56: {  	_ =	shalt  }
0x57: {  	_ =	shalt  }
0x58: {  	_ =	shalt  }
0x59: {  	_ =	shalt  }
0x5a: {  	_ =	shalt  }
0x5b: {  	_ =	shalt  }
0x5c: {  	_ =	shalt  }
0x5d: {  	_ =	shalt  }
0x5e: {  	_ =	shalt  }
0x5f: {  	_ =	shalt  }
0x60: {  	_ =	shalt  }
0x61: {  	_ =	shalt  }
0x62: {  	_ =	shalt  }
0x63: {  	_ =	shalt  }
0x64: {  	_ =	shalt  }
0x65: {  	_ =	shalt  }
0x66: {  	_ =	shalt  }
0x67: {  	_ =	shalt  }
0x68: {  	_ =	shalt  }
0x69: {  	_ =	shalt  }
0x6a: {  	_ =	shalt  }
0x6b: {  	_ =	shalt  }
0x6c: {  	_ =	shalt  }
0x6d: {  	_ =	shalt  }
0x6e: {  	_ =	shalt  }
0x6f: {  	_ =	shalt  }
0x70: {  	_ =	shalt  }
0x71: {  	_ =	shalt  }
0x72: {  	_ =	shalt  }
0x73: {  	_ =	shalt  }
0x74: {  	_ =	shalt  }
0x75: {  	_ =	shalt  }
0x76: {  	_ =	shalt  }
0x77: {  	_ =	shalt  }
0x78: {  	_ =	shalt  }
0x79: {  	_ =	shalt  }
0x7a: {  	_ =	shalt  }
0x7b: {  	_ =	shalt  }
0x7c: {  	_ =	shalt  }
0x7d: {  	_ =	shalt  }
0x7e: {  	_ =	shalt  }
0x7f: {  	_ =	shalt  }
0x80: {  	_ =	shalt  }
0x81: {  	_ =	shalt  }
0x82: {  	_ =	shalt  }
0x83: {  	_ =	shalt  }
0x84: {  	_ =	shalt  }
0x85: {  	_ =	shalt  }
0x86: {  	_ =	shalt  }
0x87: {  	_ =	shalt  }
.Lfunc_end0:
.L_simem_size_0:
called_computation.1_lowered:
.L_overlay_start_0:
0x88: {  	s2 =	sld [smem:$0x3FD9]  }
0x89: {  	s3 =	sld [smem:$0x3FFE];
	_ =	sdelay $0x1  }
0x8a: {  	s1 =	srdreg.scid  }
0x8b: {  	s0 =	sand.u32 $0x1, s1  }
0x8c: {  	s17 =	sshll.u32 s0, $0xA;
	s2 =	sadd.s32 s3, s2  }
0x8d: {  	s2 =	sadd.s32 s2, s17  }
0x8e: {  	[smem:$0x3FC6] =	sst s2  }
0x8f: {  	_ = 	snop  }
0x90: {  	s2 =	sld [smem:$0x3FD0];
	(tm) =	ssettm $0x1  }
0x91: {  	s18 =	sld [smem:$0x3FFB];
	_ =	sdelay $0x3  }
0x92: {  	_ =	strace s18  }
0x93: {  	s3 =	sld [smem:$0x3FFC];
	_ =	sdelay $0x3  }
0x94: {  	_ =	strace s3  }
0x95: {  	s3 =	sld [smem:$0x3FFD];
	_ =	sdelay $0x3  }
0x96: {  	_ =	strace s3  }
0x97: {  	_ =	strace $0x8FFFFFFF  }
0x98: {  	s19 =	sld [smem:$0x3FDB];
	_ =	sdelay $0x1  }
0x99: {  	s4 =	simm.s32 $_scs_section_size  }
0x9a: {  	s5 =	simm.s32 $_size__tile_overlayer_lowered;
	s6 =	simm.s32 $_tile_overlayer_lowered  }
0x9b: {  	s22 =	simm.s32 $0x1BFF;
	s21 =	sshll.u32 s6, $0x1;
	s3 =	sadd.s32 s4, s19  }
0x9c: {  	s7 =	simm.s32 $0x0;
	s20 =	sshll.u32 s5, $0x1;
	s5 =	sadd.s32 s21, s3  }
0x9d: {  	[timem:s7], [sflag:s22] =	dma.local [hbm:s5], s20  }
0x9e: {  	_ =	swait.ge [sflag:s22], s20  }
0x9f: {  	s4 =	ssub.s32 $0x0, s20;
	[sflag:s22] =	ssyncset.done $0x0  }
0xa0: {  	[sflag:s22] =	ssyncadd.s32 s4;
	_ =	sdelay $0x1  }
0xa1: {  	s23 =	simm.s32 $0x1B8B  }
0xa2: {  	_ =	swait.ge [sflag:s23], $0x1  }
0xa3: {  	[sflag:s23] =	ssyncset.done $0x0  }
0xa4: {  	s25 =	simm.s32 $0x1B8E;
	s24 =	sld [smem:$0x3FFE];
	[sflag:s23] =	ssyncadd.s32 $0xFFFFFFFF  }
0xa5: {  	s26 =	simm.s32 $execute0_lowered;
	[smem:$0x3FD2] =	sst s25  }
0xa6: {  	s5 =	sshll.u32 s26, $0x1;
	_ =	strace $0x80000046;
	[dreg:$0x1] =	wrdreg $0xFFFFFFFF  }
0xa7: {  	s28 =	simm.s32 $_size_execute0_lowered;
	s3 =	sadd.s32 s3, s5;
	[dreg:$0x0] =	wrdreg $0x0  }
0xa8: {  	s5 =	sshll.u32 s28, $0x1;
	[dreg:$0x2] =	wrdreg s3  }
0xa9: {  	[dreg:$0x3] =	wrdreg s5  }
0xaa: {  	[dreg:$0x4] =	wrdreg $0xC0  }
0xab: {  	_ =	task [dreg:s7], $0x5FFFF  }
0xac: {  	[dreg:$0x1] =	wrdreg $0xFFFFFFFF  }
0xad: {  	[dreg:$0x0] =	wrdreg $0x60  }
0xae: {  	[dreg:$0x2] =	wrdreg s24  }
0xaf: {  	[dreg:$0x3] =	wrdreg s2  }
0xb0: {  	[dreg:$0x4] =	wrdreg $0x9  }
0xb1: {  	_ =	task.clear_ibuf [dreg:s7], $0x5FFFF;
	_ =	strace $0x90000046  }
0xb2: {  	s29 =	simm.s32 $0x9;
	_ =	strace $0x80000048  }
0xb3: {  	_ =	swait.ge [sflag:s29], $0x1  }
0xb4: {  	[sflag:s29] =	ssyncadd.s32 $0xFFFFFFFF  }
0xb5: {  	_ =	strace $0x90000048  }
0xb6: {  	_ =	sfence  }
0xb7: {  	s30 =	sld [smem:$0x0];
	_ =	sdelay $0x2  }
0xb8: {  	s31 =	sshll.u32 s1, $0xD;
	s1 =	sshrl.u32 s1, $0x2  }
0xb9: {  	s3 =	sand.u32 $0x4000, s31;
	s1 =	sadd.s32 s1, s30  }
0xba: {  	s0 =	sor.u32 s3, s0;
	s1 =	sshll.u32 s1, $0x11  }
0xbb: {  	s0 =	sor.u32 s1, s0  }
0xbc: {  	s0 =	sadd.s32 $0x8F2B, s0  }
0xbd: {  	[sflag:s0] =	ssyncadd.remote.s32 $0x1  }
0xbe: {  	_ =	sfence.sel $0xFFFF  }
0xbf: {  	[dreg:$0x0] =	wrdreg $0xFFFFFFFF;
	(pc) =	sbr.abs _section_cstart, $3  }
0xc0: {  	[dreg:$0x1] =	wrdreg $0xFFFFFFFF  }
0xc1: {  	_ =	task.clear_ibuf [dreg:s7], $0x2FFFF;
	_ =	strace $0x9FFFFFFF  }
0xc2: {  	(tm) =	ssettm $0x7FFFFFFF  }
0xc3: {  	_ =	shalt  }
tec
execute0_lowered:
.L_overlay_start_1:
0x0: {  	(tag) =	ssettag $0x1  }
0x1: {  	s0 =	rddreg [dreg:$0x0]  }
0x2: {  	s1 =	rddreg [dreg:$0x1];
	s2 =	simm.s32 $0x0;
	s3 =	srdreg.scid  }
0x3: {  	s11 =	stileid.u32;
	s12 =	simm.s32 $0xC8;
	s13 =	simm.s32 $0x640  }
0x4: {  	s14 =	simm.s32 $0x3840;
	s15 =	simm.s32 $0x190;
	s16 =	simm.s32 $0x6A40  }
0x5: {  	s17 =	simm.s32 $0x258;
	s18 =	simm.s32 $0x9C40;
	s19 =	simm.s32 $0x6  }
0x6: {  	s28 =	simm.s32 $0x1;
	s29 =	simm.s32 $0x3;
	s30 =	simm.s32 $0x2  }
0x7: {  	s31 =	simm.s32 $0x4;
	[smem:$0x7FF] =	sst s2;
	s9 =	smul.u32 $0x6400, s11  }
0x8: {  	s5 =	sand.u32 $0x1, s3;
	s20 =	sshll.u32 s11, $0x1;
	s11 =	smul.u32 $0x190000, s11  }
0x9: {  	s8 =	sadd.s32 $0x800, s0;
	s3 =	sadd.s32 $0x64800, s0;
	s10 =	smul.u32 $0x3200, s5  }
0xa: {  	s4 =	sor.u32 s5, s20;
	s6 =	ssub.s32 $0x2, s5;
	s5 =	smul.u32 $0xC8000, s5  }
0xb: {  	_ =	strace $0x80000047;
	s20 =	simm.s32 $0xCE40;
	s7 =	smul.u32 $0x640000, s4  }
0xc: {  	s21 =	sshrl.u32 s6, $0x1;
	s4 =	smul.u32 $0x3200, s4;
	s9 =	sadd.s32 s9, s8  }
0xd: {  	s0 =	ssub.s32 s6, s21;
	s26 =	sadd.s32 s10, s9;
	s10 =	simm.s32 $0x320  }
0xe: {  	s21 =	simm.s32 $0x3E8;
	s22 =	sshrl.u32 s7, $0x3;
	s4 =	sadd.s32 s8, s4  }
0xf: {  	s8 =	smax.u32 s0, $0x1;
	[dreg:$0x3] =	wrdreg s26;
	s26 =	simm.s32 $0x16440  }
0x10: {  	s0 =	simm.s32 $0x0;
	s7 =	sadd.s32 s1, s22;
	s23 =	sadd.s32 $0x64, s4  }
0x11: {  	s1 =	sadd.s32 s11, s1;
	s11 =	simm.s32 $0x5;
	s22 =	simm.s32 $0x10040  }
0x12: {  	[dreg:$0x4] =	wrdreg s23;
	s24 =	sadd.s32 $0xC4E00, s7;
	s25 =	sadd.s32 $0xC6700, s7  }
0x13: {  	s9 =	sadd.s32 s5, s1;
	s23 =	simm.s32 $0x4B0;
	[dreg:$0x5] =	wrdreg s24  }
0x14: {  	[dreg:$0x6] =	wrdreg s25;
	s24 =	simm.s32 $0x13240;
	s25 =	simm.s32 $0x578  }
.LBB2_1:
0x15: {  	[tilespmem:s2], [sflag:$0x5] =	stream.linear.gather [hbm4b:s4+s2], $0x320, $0x38;
	[tilespmem:$0x19640] =	vst v63  }
0x16: {  	s1 =	rddreg [dreg:$0x4]  }
0x17: {  	[tilespmem:s10], [sflag:$0x6] =	stream.linear.gather [hbm4b:s1+s2], $0x320, $0x38;
	[tilespmem:$0x19640] =	vst v63  }
0x18: {  	_ =	swait.ge [sflag:s11], $0x320  }
0x19: {  	[sflag:s11] =	ssyncset.done $0x0  }
0x1a: {  	[sflag:s11] =	ssyncadd.s32 $0xFFFFFCE0  }
0x1b: {  	[tilespmem:s13], [sflag:$0x1] =	stream.indirect.gather [hbm4b:s3+s12], $0x40, s2, s12, $0xb8;
	[tilespmem:$0x19640] =	vst v63  }
0x1c: {  	_ = 	snop  }
0x1d: {  	[tilespmem:s14], [sflag:$0x1] =	stream.indirect.gather [hbm4b:s3+s12], $0x40, s12, s12, $0xb8;
	[tilespmem:$0x19640] =	vst v63  }
0x1e: {  	_ = 	snop  }
0x1f: {  	[tilespmem:s16], [sflag:$0x1] =	stream.indirect.gather [hbm4b:s3+s12], $0x40, s15, s12, $0xb8;
	[tilespmem:$0x19640] =	vst v63  }
0x20: {  	_ = 	snop  }
0x21: {  	[tilespmem:s18], [sflag:$0x1] =	stream.indirect.gather [hbm4b:s3+s12], $0x40, s17, s12, $0xb8;
	[tilespmem:$0x19640] =	vst v63  }
0x22: {  	_ =	swait.ge [sflag:s19], $0x320  }
0x23: {  	[sflag:s19] =	ssyncset.done $0x0  }
0x24: {  	[sflag:s19] =	ssyncadd.s32 $0xFFFFFCE0  }
0x25: {  	[tilespmem:s20], [sflag:$0x2] =	stream.indirect.gather [hbm4b:s3+s12], $0x40, s10, s12, $0xb8;
	[tilespmem:$0x19640] =	vst v63  }
0x26: {  	_ = 	snop  }
0x27: {  	[tilespmem:s22], [sflag:$0x2] =	stream.indirect.gather [hbm4b:s3+s12], $0x40, s21, s12, $0xb8;
	[tilespmem:$0x19640] =	vst v63  }
0x28: {  	_ = 	snop  }
0x29: {  	[tilespmem:s24], [sflag:$0x2] =	stream.indirect.gather [hbm4b:s3+s12], $0x40, s23, s12, $0xb8;
	[tilespmem:$0x19640] =	vst v63  }
0x2a: {  	_ = 	snop  }
0x2b: {  	[tilespmem:s26], [sflag:$0x2] =	stream.indirect.gather [hbm4b:s3+s12], $0x40, s25, s12, $0xb8;
	[tilespmem:$0x19640] =	vst v63  }
0x2c: {  	_ =	swait.ge [sflag:s28], $0xC800  }
0x2d: {  	s6 =	rddreg [dreg:$0x3]  }
0x2e: {  	[sflag:s28] =	ssyncset.done $0x0;
	s1 =	sadd.s32 $0x0, s6  }
0x2f: {  	[sflag:s28] =	ssyncadd.s32 $0xFFFF3800;
	s5 =	sadd.s32 $0xC8, s1  }
0x30: {  	[tilespmem:s2], [sflag:$0x5] =	stream.linear.gather [hbm4b:s5+s2], $0x320, $0x38;
	[tilespmem:$0x19640] =	vst v63  }
0x31: {  	_ = 	snop  }
0x32: {  	[hbm4b:s9+s2] =	stream.linear.scatter [tilespmem:s13], [sflag:$0x3], $0xC800, $0x38;
	[tilespmem:$0x19640] =	vst v63  }
0x33: {  	_ =	swait.ge [sflag:s29], $0xC800  }
0x34: {  	[sflag:s29] =	ssyncset.done $0x0  }
0x35: {  	[sflag:s29] =	ssyncadd.s32 $0xFFFF3800  }
0x36: {  	_ =	swait.ge [sflag:s11], $0x320  }
0x37: {  	[sflag:s11] =	ssyncset.done $0x0  }
0x38: {  	[sflag:s11] =	ssyncadd.s32 $0xFFFFFCE0  }
0x39: {  	[tilespmem:s13], [sflag:$0x1] =	stream.indirect.gather [hbm4b:s3+s12], $0x40, s2, s12, $0xb8;
	[tilespmem:$0x19640] =	vst v63  }
0x3a: {  	_ = 	snop  }
0x3b: {  	[tilespmem:s14], [sflag:$0x1] =	stream.indirect.gather [hbm4b:s3+s12], $0x40, s12, s12, $0xb8;
	[tilespmem:$0x19640] =	vst v63  }
0x3c: {  	_ = 	snop  }
0x3d: {  	[tilespmem:s16], [sflag:$0x1] =	stream.indirect.gather [hbm4b:s3+s12], $0x40, s15, s12, $0xb8;
	[tilespmem:$0x19640] =	vst v63  }
0x3e: {  	_ = 	snop  }
0x3f: {  	[tilespmem:s18], [sflag:$0x1] =	stream.indirect.gather [hbm4b:s3+s12], $0x40, s17, s12, $0xb8;
	[tilespmem:$0x19640] =	vst v63  }
0x40: {  	_ =	swait.ge [sflag:s30], $0xC800  }
0x41: {  	[sflag:s30] =	ssyncset.done $0x0  }
0x42: {  	s1 =	sadd.s32 $0x12C, s1;
	[sflag:s30] =	ssyncadd.s32 $0xFFFF3800  }
0x43: {  	[tilespmem:s10], [sflag:$0x6] =	stream.linear.gather [hbm4b:s1+s2], $0x320, $0x38;
	[tilespmem:$0x19640] =	vst v63  }
0x44: {  	s7 =	sadd.s32 $0x1900, s9  }
0x45: {  	[hbm4b:s7+s2] =	stream.linear.scatter [tilespmem:s20], [sflag:$0x4], $0xC800, $0x38;
	[tilespmem:$0x19640] =	vst v63  }
0x46: {  	_ =	swait.ge [sflag:s31], $0xC800  }
0x47: {  	[sflag:s31] =	ssyncset.done $0x0  }
0x48: {  	[sflag:s31] =	ssyncadd.s32 $0xFFFF3800  }
0x49: {  	_ =	swait.ge [sflag:s19], $0x320  }
0x4a: {  	[sflag:s19] =	ssyncset.done $0x0  }
0x4b: {  	[sflag:s19] =	ssyncadd.s32 $0xFFFFFCE0  }
0x4c: {  	[tilespmem:s20], [sflag:$0x2] =	stream.indirect.gather [hbm4b:s3+s12], $0x40, s10, s12, $0xb8;
	[tilespmem:$0x19640] =	vst v63  }
0x4d: {  	_ = 	snop  }
0x4e: {  	[tilespmem:s22], [sflag:$0x2] =	stream.indirect.gather [hbm4b:s3+s12], $0x40, s21, s12, $0xb8;
	[tilespmem:$0x19640] =	vst v63  }
0x4f: {  	s5 =	sadd.s32 $0x3200, s9;
	s1 =	simm.s32 $0xC8  }
0x50: {  	[tilespmem:s24], [sflag:$0x2] =	stream.indirect.gather [hbm4b:s3+s12], $0x40, s23, s12, $0xb8;
	[tilespmem:$0x19640] =	vst v63  }
.LBB2_2:
0x51: {  	[tilespmem:s26], [sflag:$0x2] =	stream.indirect.gather [hbm4b:s3+s12], $0x40, s25, s12, $0xb8;
	[tilespmem:$0x19640] =	vst v63  }
0x52: {  	_ =	swait.ge [sflag:s28], $0xC800  }
0x53: {  	s6 =	smov.u32 s1;
	s7 =	rddreg [dreg:$0x3]  }
0x54: {  	[sflag:s28] =	ssyncset.done $0x0;
	s6 =	sadd.s32 s6, s7  }
0x55: {  	[sflag:s28] =	ssyncadd.s32 $0xFFFF3800;
	s7 =	sadd.s32 $0xC8, s6  }
0x56: {  	[tilespmem:s2], [sflag:$0x5] =	stream.linear.gather [hbm4b:s7+s2], $0x320, $0x38;
	[tilespmem:$0x19640] =	vst v63  }
0x57: {  	_ = 	snop  }
0x58: {  	[hbm4b:s5+s2] =	stream.linear.scatter [tilespmem:s13], [sflag:$0x3], $0xC800, $0x38;
	[tilespmem:$0x19640] =	vst v63  }
0x59: {  	_ =	swait.ge [sflag:s29], $0xC800  }
0x5a: {  	[sflag:s29] =	ssyncset.done $0x0  }
0x5b: {  	[sflag:s29] =	ssyncadd.s32 $0xFFFF3800  }
0x5c: {  	_ =	swait.ge [sflag:s11], $0x320  }
0x5d: {  	[sflag:s11] =	ssyncset.done $0x0  }
0x5e: {  	[sflag:s11] =	ssyncadd.s32 $0xFFFFFCE0  }
0x5f: {  	[tilespmem:s13], [sflag:$0x1] =	stream.indirect.gather [hbm4b:s3+s12], $0x40, s2, s12, $0xb8;
	[tilespmem:$0x19640] =	vst v63  }
0x60: {  	_ = 	snop  }
0x61: {  	[tilespmem:s14], [sflag:$0x1] =	stream.indirect.gather [hbm4b:s3+s12], $0x40, s12, s12, $0xb8;
	[tilespmem:$0x19640] =	vst v63  }
0x62: {  	_ = 	snop  }
0x63: {  	[tilespmem:s16], [sflag:$0x1] =	stream.indirect.gather [hbm4b:s3+s12], $0x40, s15, s12, $0xb8;
	[tilespmem:$0x19640] =	vst v63  }
0x64: {  	_ = 	snop  }
0x65: {  	[tilespmem:s18], [sflag:$0x1] =	stream.indirect.gather [hbm4b:s3+s12], $0x40, s17, s12, $0xb8;
	[tilespmem:$0x19640] =	vst v63  }
0x66: {  	_ =	swait.ge [sflag:s30], $0xC800  }
0x67: {  	[sflag:s30] =	ssyncset.done $0x0  }
0x68: {  	s6 =	sadd.s32 $0x12C, s6;
	[sflag:s30] =	ssyncadd.s32 $0xFFFF3800  }
0x69: {  	[tilespmem:s10], [sflag:$0x6] =	stream.linear.gather [hbm4b:s6+s2], $0x320, $0x38;
	[tilespmem:$0x19640] =	vst v63  }
0x6a: {  	s7 =	sadd.s32 $0x1900, s5  }
0x6b: {  	[hbm4b:s7+s2] =	stream.linear.scatter [tilespmem:s20], [sflag:$0x4], $0xC800, $0x38;
	[tilespmem:$0x19640] =	vst v63  }
0x6c: {  	_ =	swait.ge [sflag:s31], $0xC800  }
0x6d: {  	[sflag:s31] =	ssyncset.done $0x0  }
0x6e: {  	[sflag:s31] =	ssyncadd.s32 $0xFFFF3800  }
0x6f: {  	_ =	swait.ge [sflag:s19], $0x320  }
0x70: {  	[sflag:s19] =	ssyncset.done $0x0  }
0x71: {  	p0 =	sne.s32 s1, $0x3070;
	[sflag:s19] =	ssyncadd.s32 $0xFFFFFCE0  }
0x72: {  	[tilespmem:s20], [sflag:$0x2] =	stream.indirect.gather [hbm4b:s3+s12], $0x40, s10, s12, $0xb8;
	[tilespmem:$0x19640] =	vst v63  }
.Ltmp0:
0x73: {  	_ = 	snop;
	(pc) =	sbr.rel @p0 .LBB2_2-.Ltmp0, $4  }
0x74: {  	_ = 	snop  }
0x75: {  	[tilespmem:s22], [sflag:$0x2] =	stream.indirect.gather [hbm4b:s3+s12], $0x40, s21, s12, $0xb8;
	[tilespmem:$0x19640] =	vst v63  }
0x76: {  	s1 =	sadd.s32 $0xC8, s1;
	s5 =	sadd.s32 $0x3200, s5  }
0x77: {  	[tilespmem:s24], [sflag:$0x2] =	stream.indirect.gather [hbm4b:s3+s12], $0x40, s23, s12, $0xb8;
	[tilespmem:$0x19640] =	vst v63  }
0x78: {  	[tilespmem:s26], [sflag:$0x2] =	stream.indirect.gather [hbm4b:s3+s12], $0x40, s25, s12, $0xb8;
	[tilespmem:$0x19640] =	vst v63  }
0x79: {  	_ =	swait.ge [sflag:s28], $0xC800  }
0x7a: {  	[sflag:s28] =	ssyncset.done $0x0  }
0x7b: {  	s1 =	rddreg [dreg:$0x5];
	[sflag:s28] =	ssyncadd.s32 $0xFFFF3800  }
0x7c: {  	[hbm4b:s1+s2] =	stream.linear.scatter [tilespmem:s13], [sflag:$0x3], $0xC800, $0x38;
	[tilespmem:$0x19640] =	vst v63  }
0x7d: {  	_ =	swait.ge [sflag:s30], $0xC800  }
0x7e: {  	[sflag:s30] =	ssyncset.done $0x0  }
0x7f: {  	s0 =	sadd.s32 $0x1, s0;
	s7 =	rddreg [dreg:$0x6];
	[sflag:s30] =	ssyncadd.s32 $0xFFFF3800  }
0x80: {  	[hbm4b:s7+s2] =	stream.linear.scatter [tilespmem:s20], [sflag:$0x4], $0xC800, $0x38;
	[tilespmem:$0x19640] =	vst v63  }
0x81: {  	p0 =	sne.s32 s0, s8;
	_ =	swait.ge [sflag:s29], $0xC800  }
.Ltmp1:
0x82: {  	[sflag:s29] =	ssyncset.done $0x0;
	(pc) =	sbr.rel @p0 .LBB2_1-.Ltmp1, $4  }
0x83: {  	[sflag:s29] =	ssyncadd.s32 $0xFFFF3800  }
0x84: {  	_ =	swait.ge [sflag:s31], $0xC800  }
0x85: {  	[sflag:s31] =	ssyncset.done $0x0  }
0x86: {  	[sflag:s31] =	ssyncadd.s32 $0xFFFF3800  }
0x87: {  	_ =	sfence.sel $0x180000  }
0x88: {  	[bflag:$0x0] =	sbarrier.arrive $0xFFFF  }
0x89: {  	_ =	strace $0x90000047  }
0x8a: {  	s0 =	stileid.u32;
	[bflag:$0x2] =	sbarrier.arrive $0xFFFF  }
0x8b: {  	p0 =	sne.s32 s0, $0x0;
	s0 =	rddreg [dreg:$0x2]  }
0x8c: {  	s0 =	sadd.s32 @!p0 $0x100000, s0  }
0x8d: {  	[sflag:s0] =	ssyncadd.tile.s32 @!p0 $0x1;
	_ =	shalt  }
.Lfunc_end2:
_tile_overlayer_lowered:
.L_overlay_start_2:
0x8e: {  	(tag) =	ssettag $0x2  }
0x8f: {  	s0 =	rddreg [dreg:$0x0];
	s2 =	stileid.u32  }
0x90: {  	s1 =	rddreg [dreg:$0x1];
	p0 =	sne.s32 s2, $0x0  }
0x91: {  	s3 =	rddreg [dreg:$0x2];
	[bflag:$0x3] =	sbarrier.arrive $0xFFFF;
	s2 =	simm.s32 @!p0 $0x1C07  }
0x92: {  	[timem:s3], [sflag:s2] =	dma.local @!p0 [hbm:s0], s1  }
0x93: {  	s0 =	simm.s32 @!p0 $0x7  }
0x94: {  	_ =	swait.ge @!p0 [sflag:s0], s1  }
0x95: {  	s1 =	ssub.s32 @!p0 $0x0, s1;
	[sflag:s0] =	ssyncset.done @!p0 $0x0  }
0x96: {  	[sflag:s0] =	ssyncadd.s32 @!p0 s1  }
0x97: {  	[bflag:$0x3] =	sbarrier.arrive $0xFFFF  }
0x98: {  	_ =	shalt  }

// kernel: sparse-core-data-format-call.cloned.1.call-start
scs
called_computation_lowered:
.L_overlay_start_0:
0x0: {  	s2 =	sld [smem:$0x3FD9]  }
0x1: {  	s3 =	sld [smem:$0x3FFE];
	_ =	sdelay $0x1  }
0x2: {  	s1 =	srdreg.scid  }
0x3: {  	s0 =	sand.u32 $0x1, s1  }
0x4: {  	s18 =	sshll.u32 s0, $0xA;
	s2 =	sadd.s32 s3, s2  }
0x5: {  	s2 =	sadd.s32 s2, s18  }
0x6: {  	[smem:$0x3FC6] =	sst s2  }
0x7: {  	_ = 	snop  }
0x8: {  	s2 =	sld [smem:$0x3FD0];
	(tm) =	ssettm $0x1  }
0x9: {  	s19 =	sld [smem:$0x3FFB];
	_ =	sdelay $0x3  }
0xa: {  	_ =	strace s19  }
0xb: {  	s3 =	sld [smem:$0x3FFC];
	_ =	sdelay $0x3  }
0xc: {  	_ =	strace s3  }
0xd: {  	s3 =	sld [smem:$0x3FFD];
	_ =	sdelay $0x3  }
0xe: {  	_ =	strace s3  }
0xf: {  	_ =	strace $0x8FFFFFFF  }
0x10: {  	s20 =	sld [smem:$0x3FDB];
	_ =	sdelay $0x1  }
0x11: {  	s4 =	simm.s32 $_scs_section_size  }
0x12: {  	s5 =	simm.s32 $_size__tile_overlayer_lowered;
	s6 =	simm.s32 $_tile_overlayer_lowered  }
0x13: {  	s23 =	simm.s32 $0x1BFF;
	s22 =	sshll.u32 s6, $0x1;
	s3 =	sadd.s32 s4, s20  }
0x14: {  	s7 =	simm.s32 $0x0;
	s21 =	sshll.u32 s5, $0x1;
	s5 =	sadd.s32 s22, s3  }
0x15: {  	[timem:s7], [sflag:s23] =	dma.local [hbm:s5], s21  }
0x16: {  	_ =	swait.ge [sflag:s23], s21  }
0x17: {  	s4 =	ssub.s32 $0x0, s21;
	[sflag:s23] =	ssyncset.done $0x0  }
0x18: {  	[sflag:s23] =	ssyncadd.s32 s4;
	_ =	sdelay $0x1  }
0x19: {  	s24 =	simm.s32 $0x1B8B  }
0x1a: {  	_ =	swait.ge [sflag:s24], $0x1  }
0x1b: {  	[sflag:s24] =	ssyncset.done $0x0  }
0x1c: {  	s26 =	simm.s32 $0x1B8E;
	s25 =	sld [smem:$0x3FFE];
	[sflag:s24] =	ssyncadd.s32 $0xFFFFFFFF  }
0x1d: {  	s27 =	simm.s32 $execute0_lowered;
	[smem:$0x3FD2] =	sst s26  }
0x1e: {  	s5 =	sshll.u32 s27, $0x1;
	_ =	strace $0x80000049;
	[dreg:$0x1] =	wrdreg $0xFFFFFFFF  }
0x1f: {  	s28 =	simm.s32 $_size_execute0_lowered;
	s3 =	sadd.s32 s3, s5;
	[dreg:$0x0] =	wrdreg $0x0  }
0x20: {  	s5 =	sshll.u32 s28, $0x1;
	[dreg:$0x2] =	wrdreg s3  }
0x21: {  	[dreg:$0x3] =	wrdreg s5  }
0x22: {  	[dreg:$0x4] =	wrdreg $0xC0  }
0x23: {  	_ =	task [dreg:s7], $0x5FFFF  }
0x24: {  	[dreg:$0x1] =	wrdreg $0xFFFFFFFF  }
0x25: {  	[dreg:$0x0] =	wrdreg $0x60  }
0x26: {  	[dreg:$0x2] =	wrdreg s25  }
0x27: {  	[dreg:$0x3] =	wrdreg s2  }
0x28: {  	[dreg:$0x4] =	wrdreg $0x9  }
0x29: {  	_ =	task.clear_ibuf [dreg:s7], $0x5FFFF;
	_ =	strace $0x90000049  }
0x2a: {  	s29 =	simm.s32 $0x9;
	_ =	strace $0x8000004B  }
0x2b: {  	_ =	swait.ge [sflag:s29], $0x1  }
0x2c: {  	[sflag:s29] =	ssyncadd.s32 $0xFFFFFFFF  }
0x2d: {  	_ =	strace $0x9000004B  }
0x2e: {  	_ =	sfence  }
0x2f: {  	s30 =	sld [smem:$0x0];
	_ =	sdelay $0x2  }
0x30: {  	s31 =	sshll.u32 s1, $0xD;
	s1 =	sshrl.u32 s1, $0x2  }
0x31: {  	s3 =	sand.u32 $0x4000, s31;
	s1 =	sadd.s32 s1, s30  }
0x32: {  	s0 =	sor.u32 s3, s0;
	s1 =	sshll.u32 s1, $0x11  }
0x33: {  	s0 =	sor.u32 s1, s0  }
0x34: {  	s0 =	sadd.s32 $0x8F2B, s0  }
0x35: {  	[sflag:s0] =	ssyncadd.remote.s32 $0x1  }
0x36: {  	_ =	sfence.sel $0xFFFF  }
0x37: {  	[dreg:$0x0] =	wrdreg $0xFFFFFFFF;
	(pc) =	sbr.abs _section_cstart, $3  }
0x38: {  	[dreg:$0x1] =	wrdreg $0xFFFFFFFF  }
0x39: {  	_ =	task.clear_ibuf [dreg:s7], $0x2FFFF;
	_ =	strace $0x9FFFFFFF  }
0x3a: {  	(tm) =	ssettm $0x7FFFFFFF  }
0x3b: {  	_ =	shalt  }
tec
execute0_lowered:
.L_overlay_start_1:
0x0: {  	(tag) =	ssettag $0x1  }
0x1: {  	s0 =	srdreg.scid  }
0x2: {  	s1 =	sshll.u32 s0, $0x4  }
0x3: {  	s0 =	stileid.u32;
	s1 =	sand.u32 $0x10, s1  }
0x4: {  	s1 =	sor.u32 s0, s1  }
0x5: {  	s6 =	rddreg [dreg:$0x0];
	s4 =	simm.s32 $0x1;
	s2 =	sshll.u32 s1, $0x7  }
0x6: {  	s7 =	simm.s32 $0x2;
	s12 =	simm.s32 $0x0;
	s1 =	ssub.s32 $0x4000, s2  }
0x7: {  	s8 =	simm.s32 $0x20000;
	s13 =	simm.s32 $0x0;
	s3 =	sand.u32 $0xF80, s1  }
0x8: {  	s9 =	simm.s32 $0x0;
	s5 =	sshrl.u32 s1, $0xC;
	p0 =	sne.s32 s3, $0x0  }
.Ltmp0:
0x9: {  	s1 =	rddreg [dreg:$0x2];
	s4 =	simm.s32 @!p0 $0x0;
	(pc) =	sbr.rel .LBB1_1-.Ltmp0, $4  }
0xa: {  	s11 =	simm.s32 $0x0;
	s3 =	rddreg [dreg:$0x1];
	s5 =	sadd.s32 s4, s5  }
0xb: {  	_ =	strace $0x8000004A;
	s4 =	simm.s32 $0x1;
	s5 =	smul.u32 $0xC8, s5  }
0xc: {  	s6 =	sadd.s32 $0x800, s6;
	s10 =	smov.u32 s2;
	[sflag:s4] =	ssyncpa.u1 $0x0  }
0xd: {  	p0 =	por $0x0, $0x0;
	[sflag:s7] =	ssyncpa.u1 $0x0;
	s7 =	sor.u32 $0x1, s5  }
.LBB1_4:
0xe: {  	s16 =	sshll.u32 s13, $0x3;
	s17 =	sand.u32 $0x78, s13  }
0xf: {  	s30 =	sand.u32 $0x1F800, s13;
	s12 =	sshll.u32 s12, $0x11;
	s16 =	sand.u32 $0x3C00, s16  }
0x10: {  	[tilespmem:s15+$0x810 ss:$0x81] =	vst.msk $0xffff, v2;
	s31 =	sand.u32 $0x7, s13;
	s16 =	sor.u32 s17, s16;
	s17 =	sadd.s32 s3, s30  }
0x11: {  	[tilespmem:s15+$0x1020 ss:$0x81] =	vst.msk $0xffff, v0;
	s13 =	sshll.u32 s31, $0x12;
	s12 =	sadd.s32 s12, s17;
	s16 =	sshrl.u32 s16, $0x3  }
0x12: {  	[tilespmem:s15+$0x0 ss:$0x81] =	vst.msk $0xffff, v1;
	s13 =	sor.u32 $0x400, s13;
	s12 =	sadd.s32 s16, s12  }
0x13: {  	[hbm4b:s12+s13] =	stream.strided.scatter [tilespmem:s14], [sflag:$0x2], $0x2000, s8, s13, $0x20;
	[tilespmem:$0x8080] =	vst v63  }
.LBB1_5:
0x14: {  	s14 =	sadd.s32 $0x1, s9  }
0x15: {  	s12 =	sadd.s32 $0x1000, s10;
	s16 =	smov.u32 s10;
	p2 =	sgt.s32 s14, $0xC7  }
0x16: {  	s16 =	smov.u32 @p2 s12  }
0x17: {  	s14 =	simm.s32 @p2 $0x0;
	p2 =	sgt.s32 s16, $0x3FFF  }
0x18: {  	s16 =	smov.u32 @p2 s2;
	p2 =	sne.s32 s11, s7  }
.Ltmp1:
0x19: {  	p1 =	slt.u32 s11, $0x2;
	(pc) =	sbr.rel @!p2 .LBB1_6-.Ltmp1, $4  }
0x1a: {  	s15 =	simm.s32 @!p1 $0x2  }
0x1b: {  	s13 =	smov.u32 s10;
	p0 =	por !p0, !p0;
	_ =	swait.ge @!p1 [sflag:s15], $0x2000  }
0x1c: {  	s12 =	smov.u32 s9;
	[sflag:s15] =	ssyncset.done @!p1 $0x0;
	s9 =	smov.u32 s14  }
0x1d: {  	s11 =	sadd.s32 $0x1, s11;
	[sflag:s15] =	ssyncadd.s32 @!p1 $0xFFFFE000;
	s10 =	smov.u32 s16  }
.LBB1_1:
0x1e: {  	p1 =	sge.u32 s11, s5  }
0x1f: {  	s14 =	sand.u32 @!p1 $0x1FFFFFF, s9  }
0x20: {  	s15 =	smulhi.u32 @!p1 $0x147AE15, s14;
	_ =	sdelay $0x1  }
0x21: {  	s15 =	smul.u32 @!p1 $0xC8, s15  }
0x22: {  	s16 =	sxor.u32 @!p1 $0xFFFFFFFF, s11;
	s17 =	smul.u32 @!p1 $0xC80, s10  }
0x23: {  	s31 =	sadd.s32 $0xFFFFFFFF, s11;
	s16 =	sshll.u32 @!p1 s16, $0xD;
	s14 =	ssub.s32 @!p1 s14, s15  }
0x24: {  	s15 =	sand.u32 @!p1 $0x2000, s16;
	s16 =	sadd.s32 @!p1 s6, s17;
	s14 =	sshll.u32 @!p1 s14, $0x4  }
0x25: {  	s17 =	simm.s32 @!p1 $0x6400;
	s14 =	sadd.s32 @!p1 s14, s16;
	s16 =	simm.s32 @!p1 $0x40  }
0x26: {  	[tilespmem:s15], [sflag:$0x1] =	stream.strided.gather @!p1 [hbm4b:s14+s16], $0x2000, s17, s16, $0x38;
	[tilespmem:$0x8080] =	vst v63  }
0x27: {  	p1 =	sge.u32 s31, s5  }
.Ltmp2:
0x28: {  	_ = 	snop;
	(pc) =	sbr.rel @p1 .LBB1_5-.Ltmp2, $1  }
0x29: {  	_ =	sdelay $0x3  }
0x2a: {  	s14 =	simm.s32 $0x1  }
0x2b: {  	_ =	swait.ge [sflag:s4], $0x2000;
	s14 =	simm.s32 @!p0 $0x0  }
0x2c: {  	[sflag:s4] =	ssyncset.done $0x0;
	s15 =	sshll.u32 s14, $0xD  }
0x2d: {  	[sflag:s4] =	ssyncadd.s32 $0xFFFFE000;
	s18 =	sor.u32 $0x20, s15  }
0x2e: {  	s14 =	smul.u32 $0x8100, s14;
	v3 =	vld [tilespmem:s18+$0x10]  }
0x2f: {  	s30 =	sand.u32 $0x1, s11;
	v2 =	vld [tilespmem:s18+$0xFFFFFFF0]  }
0x30: {  	s15 =	smul.u32 $0x8100, s30;
	s14 =	sshrl.u32 s14, $0x2;
	v0 =	vld [tilespmem:s18+$0x0]  }
0x31: {  	v1 =	vld [tilespmem:s18+$0xFFFFFFE0];
	s16 =	sor.u32 $0x4000, s14  }
0x32: {  	s31 =	sshrl.u32 s15, $0x2;
	s15 =	sadd.s32 $0x0, s16  }
0x33: {  	s17 =	simm.s32 $0x4;
	s18 =	sadd.s32 $0x40, s18;
	s14 =	sor.u32 $0x4000, s31;
	[tilespmem:s15+$0x1830 ss:$0x81] =	vst.msk $0xffff, v3  }
.LBB1_3:
0x34: {  	v3 =	vld [tilespmem:s18+$0x10];
	p1 =	sne.s32 s17, $0x1FC;
	[tilespmem:s15+$0x810 ss:$0x81] =	vst.msk $0xffff, v2;
	s19 =	smov.u32 s17;
	s17 =	sadd.s32 $0x4, s17  }
.Ltmp3:
0x35: {  	v2 =	vld [tilespmem:s18+$0xFFFFFFF0];
	[tilespmem:s15+$0x1020 ss:$0x81] =	vst.msk $0xffff, v0;
	(pc) =	sbr.rel @p1 .LBB1_3-.Ltmp3, $4  }
0x36: {  	v0 =	vld [tilespmem:s18+$0x0];
	[tilespmem:s15+$0x0 ss:$0x81] =	vst.msk $0xffff, v1  }
0x37: {  	s15 =	sshra.s32 s19, $0x2;
	v1 =	vld [tilespmem:s18+$0xFFFFFFE0]  }
0x38: {  	s15 =	sadd.s32 s15, s16  }
0x39: {  	s18 =	sadd.s32 $0x40, s18;
	[tilespmem:s15+$0x1830 ss:$0x81] =	vst.msk $0xffff, v3  }
.Ltmp4:
0x3a: {  	_ = 	snop;
	(pc) =	sbr.rel .LBB1_4-.Ltmp4, $1  }
0x3b: {  	_ =	sdelay $0x3  }
.LBB1_6:
0x3c: {  	_ =	sfence.sel $0x180000  }
0x3d: {  	s2 =	simm.s32 $0x1;
	[bflag:$0x0] =	sbarrier.arrive $0xFFFF  }
0x3e: {  	s31 =	simm.s32 $0x2;
	[sflag:s2] =	ssyncpa.u1 $0x1  }
0x3f: {  	[sflag:s31] =	ssyncpa.u1 $0x1  }
0x40: {  	p0 =	sne.s32 s0, $0x0;
	_ =	strace $0x9000004A  }
0x41: {  	s0 =	sadd.s32 @!p0 $0x100000, s1;
	[bflag:$0x2] =	sbarrier.arrive $0xFFFF  }
0x42: {  	[sflag:s0] =	ssyncadd.tile.s32 @!p0 $0x1;
	_ =	shalt  }
.Lfunc_end1:
_tile_overlayer_lowered:
.L_overlay_start_2:
0x43: {  	(tag) =	ssettag $0x2  }
0x44: {  	s0 =	rddreg [dreg:$0x0];
	s2 =	stileid.u32  }
0x45: {  	s1 =	rddreg [dreg:$0x1];
	p0 =	sne.s32 s2, $0x0  }
0x46: {  	s3 =	rddreg [dreg:$0x2];
	[bflag:$0x3] =	sbarrier.arrive $0xFFFF;
	s2 =	simm.s32 @!p0 $0x1C01  }
0x47: {  	[timem:s3], [sflag:s2] =	dma.local @!p0 [hbm:s0], s1  }
0x48: {  	s0 =	simm.s32 @!p0 $0x1  }
0x49: {  	_ =	swait.ge @!p0 [sflag:s0], s1  }
0x4a: {  	s1 =	ssub.s32 @!p0 $0x0, s1;
	[sflag:s0] =	ssyncset.done @!p0 $0x0  }
0x4b: {  	[sflag:s0] =	ssyncadd.s32 @!p0 s1  }
0x4c: {  	[bflag:$0x3] =	sbarrier.arrive $0xFFFF  }
0x4d: {  	_ =	shalt  }

</sc_bundles>
